<compile_context>
chip_gen: v7x
topology: tpu7x:2x2x1
jax: 0.10.2.dev20260603
libtpu: 0.0.44.dev20260713+nightly
codegen_flags: <defaults>
</compile_context>

<pallas_src>
import jax
import jax.numpy as jnp
from jax.experimental import pallas as pl
from jax.experimental.pallas import tpu as pltpu
from jax.experimental.pallas import tpu_sc as plsc

_N_E = 8192
_E_DIM = 32
_BETA = 0.25
_ROW_BLOCK = 512
_NBLK = 2
_BW = _N_E // _NBLK
_GATHER_WINDOW = 128
_GATHER_ROW = 128


def _dist_argmin_body(zn_ref, z_ref, et_ref, en_ref, idx_ref, dsel_ref):
    zv = z_ref[...].astype(jnp.bfloat16).astype(jnp.float32)
    et = et_ref[...]
    prod = jax.lax.dot_general(
        zv, et, (((1,), (0,)), ((), ())),
        preferred_element_type=jnp.float32,
    )
    d = (zn_ref[...] + en_ref[...]) - 2.0 * prod
    iota = jax.lax.broadcasted_iota(jnp.int32, (_ROW_BLOCK, _BW), 1)
    v = gi = dv = None
    for q in range(_NBLK):
        dq = d[:, q * _BW:(q + 1) * _BW]
        mq = jnp.min(dq, axis=1)
        jq = jnp.min(jnp.where(dq == mq[:, None], iota, _BW), axis=1) + q * _BW
        if v is None:
            v, gi, dv = mq, jq, mq
        else:
            take = (mq < v) | ((mq == v) & (jq < gi))
            v = jnp.where(take, mq, v)
            gi = jnp.where(take, jq, gi)
            dv = jnp.where(take, mq, dv)
        v = v.astype(jnp.bfloat16).astype(jnp.float32)
    idx_ref[0, 0, :] = gi
    dsel_ref[0, 0, :] = dv


def _dist_argmin(z_flat, zn, e_t, en):
    n_rows = z_flat.shape[0]
    n_blocks = n_rows // _ROW_BLOCK
    idx, dsel = pl.pallas_call(
        _dist_argmin_body,
        grid=(n_blocks,),
        in_specs=[
            pl.BlockSpec((_ROW_BLOCK, 1), lambda i: (i, 0)),
            pl.BlockSpec((_ROW_BLOCK, _E_DIM), lambda i: (i, 0)),
            pl.BlockSpec((_E_DIM, _N_E), lambda i: (0, 0)),
            pl.BlockSpec((1, _N_E), lambda i: (0, 0)),
        ],
        out_specs=[
            pl.BlockSpec((1, 1, _ROW_BLOCK), lambda i: (i, 0, 0)),
            pl.BlockSpec((1, 1, _ROW_BLOCK), lambda i: (i, 0, 0)),
        ],
        out_shape=[
            jax.ShapeDtypeStruct((n_blocks, 1, _ROW_BLOCK), jnp.int32),
            jax.ShapeDtypeStruct((n_blocks, 1, _ROW_BLOCK), jnp.float32),
        ],
    )(zn, z_flat, e_t, en)
    return idx.reshape(n_rows), dsel.reshape(n_rows)


def _sc_gather_rows(table_padded, indices_flat):
    n = indices_flat.shape[0]
    idx2d = indices_flat.reshape(1, n)
    mesh = plsc.VectorSubcoreMesh(
        core_axis_name="core", subcore_axis_name="subcore"
    )

    @pl.kernel(
        out_type=jax.ShapeDtypeStruct((n, _GATHER_ROW), table_padded.dtype),
        mesh=mesh,
    )
    def gather_kernel(tbl_hbm, i_hbm, o_hbm):
        def body(i_vmem, o_vmem):
            pltpu.sync_copy(tbl_hbm.at[i_vmem.at[0]], o_vmem)

        pltpu.emit_pipeline(
            body,
            grid=(n // _GATHER_WINDOW,),
            in_specs=[
                pl.BlockSpec((1, _GATHER_WINDOW), lambda i: (0, i))
            ],
            out_specs=[
                pl.BlockSpec((_GATHER_WINDOW, _GATHER_ROW), lambda i: (i, 0))
            ],
            core_axis_name="subcore",
            dimension_semantics=(pltpu.PARALLEL,),
        )(i_hbm, o_hbm)

    return gather_kernel(table_padded, idx2d)


def kernel(z, embedding_weight):
    b, t, _ = z.shape
    z_flat = z.reshape(-1, _E_DIM)
    zn = jnp.sum(z_flat**2, axis=1, keepdims=True)
    en = jnp.sum(embedding_weight**2, axis=1)[None, :]
    e_t = embedding_weight.T

    table_padded = jnp.pad(embedding_weight, ((0, 0), (0, _GATHER_ROW - _E_DIM)))
    half = z_flat.shape[0] // 2
    idx0, dsel0 = _dist_argmin(z_flat[:half], zn[:half], e_t, en)
    zq0 = _sc_gather_rows(table_padded, idx0)
    idx1, dsel1 = _dist_argmin(z_flat[half:], zn[half:], e_t, en)
    zq1 = _sc_gather_rows(table_padded, idx1)
    idx_flat = jnp.concatenate([idx0, idx1])
    zq_flat = jnp.concatenate([zq0, zq1])[:, :_E_DIM]
    z_q = zq_flat.reshape(z.shape)

    n_elems = z_flat.shape[0] * _E_DIM
    m = (jnp.sum(dsel0) + jnp.sum(dsel1)) / n_elems
    loss = _BETA * m + m

    z_q = z + jax.lax.stop_gradient(z_q - z)
    min_encoding_indices = idx_flat.reshape(b, t)
    v = jnp.var(min_encoding_indices.astype(jnp.float32), ddof=1)
    return (z_q, loss, min_encoding_indices, v)

# --- scband reference (transcript-rebuilt; emitter-appended) ---
"""Pipeline reference for scband-vq2-32727650796017 (READ-ONLY COPY).

The authoritative reference and input builder live on the scoring server;
editing this copy changes nothing except your own understanding.
"""

import jax, jax.numpy as jnp
import numpy as np

N_E = 8192
E_DIM = 32
BETA = 0.25


def setup_inputs(seed: int = 0) -> dict:
    key = jax.random.key(seed)
    k1, k2 = jax.random.split(key)
    z = jax.random.normal(k1, (16, 1024, E_DIM), dtype=jnp.float32)
    embedding_weight = jax.random.uniform(
        k2, (N_E, E_DIM), minval=-1.0 / N_E, maxval=1.0 / N_E, dtype=jnp.float32
    )
    return {"z": z, "embedding_weight": embedding_weight}


def reference(z, embedding_weight):
    # z: [B, T, e_dim]; flatten_in=False, flatten_out=False, legacy=False, log_choice=True
    z_flattened = z.reshape(-1, E_DIM)
    d = (
        jnp.sum(z_flattened ** 2, axis=1, keepdims=True)
        + jnp.sum(embedding_weight ** 2, axis=1)
        - 2.0 * jnp.einsum("bd,dn->bn", z_flattened, embedding_weight.T)
    )
    min_encoding_indices = jnp.argmin(d, axis=1)
    z_q = jnp.take(embedding_weight, min_encoding_indices, axis=0).reshape(z.shape)
    # legacy=False branch
    loss = BETA * jnp.mean((jax.lax.stop_gradient(z_q) - z) ** 2) + jnp.mean(
        (z_q - jax.lax.stop_gradient(z)) ** 2
    )
    # straight-through estimator
    z_q = z + jax.lax.stop_gradient(z_q - z)
    min_encoding_indices = min_encoding_indices.reshape(z_q.shape[0], z_q.shape[1])
    # torch.var uses unbiased estimator (ddof=1)
    v = jnp.var(min_encoding_indices.astype(jnp.float32), ddof=1)
    return (z_q, loss, min_encoding_indices, v)

if __name__ == "__main__":
    import jax
    _d = setup_inputs()
    print(jax.jit(kernel)(*tuple(_d.values())))

</pallas_src>

<mosaic_0001>
#map = affine_map<(d0, d1) -> (0, 0)>
module attributes {stable_mosaic.version = 14 : i64} {
  func.func @gather_kernel(%arg0: i32, %arg1: i32, %arg2: memref<8192x128xf32, #tpu.memory_space<hbm>>, %arg3: memref<1x8192xi32, #tpu.memory_space<hbm>>, %arg4: memref<8192x128xf32, #tpu.memory_space<hbm>>) attributes {dimension_semantics = [#tpu.dimension_semantics<core_parallel>, #tpu.dimension_semantics<subcore_parallel>], iteration_bounds = array<i64: 2, 16>, scalar_prefetch = 0 : i64, scratch_operands = 0 : i64, tpu.core_type = #tpu.core_type<sc_vector_subcore>, window_params = [{transform_indices = #map}, {transform_indices = #map}, {transform_indices = #map}]} {
    %mul3A = arith.constant 4 : i32
    %mul3A_0 = arith.muli %arg1, %mul3A : i32
    "tpu.region"() ({
      %run_scoped3A = memref.alloca() : memref<2x1x128xi32, #tpu.memory_space<vmem>>
      %run_scoped3A_1 = tpu.sem_alloc : memref<2x!tpu.dma_semaphore, #tpu.memory_space<semaphore_mem>>
      %run_scoped3A_2 = memref.alloca() : memref<2x128x128xf32, #tpu.memory_space<vmem>>
      %run_scoped3A_3 = tpu.sem_alloc : memref<2x!tpu.dma_semaphore, #tpu.memory_space<semaphore_mem>>
      %add3A = arith.constant 0 : i32
      %add3A_4 = arith.addi %add3A, %mul3A_0 : i32
      %select_n3A = arith.constant true
      %select_n3A_5 = arith.constant 0 : i32
      %select_n3A_6 = arith.constant -1 : i32
      %select_n3A_7 = arith.select %select_n3A, %select_n3A_6, %select_n3A_5 : i32
      %eq3A = arith.constant -1 : i32
      %eq3A_8 = arith.cmpi eq, %select_n3A_7, %eq3A : i32
      %select_n3A_9 = arith.constant 3 : i32
      %select_n3A_10 = arith.select %eq3A_8, %select_n3A_9, %select_n3A_7 : i32
      %add3A_11 = arith.addi %select_n3A_10, %mul3A_0 : i32
      %select_n3A_12 = arith.constant true
      %select_n3A_13 = arith.constant 0 : i32
      %select_n3A_14 = arith.constant 1 : i32
      %select_n3A_15 = arith.select %select_n3A_12, %select_n3A_14, %select_n3A_13 : i32
      %eq3A_16 = arith.constant 4 : i32
      %eq3A_17 = arith.cmpi eq, %select_n3A_15, %eq3A_16 : i32
      %select_n3A_18 = arith.constant 0 : i32
      %select_n3A_19 = arith.select %eq3A_17, %select_n3A_18, %select_n3A_15 : i32
      %add3A_20 = arith.addi %select_n3A_19, %mul3A_0 : i32
      %add3A_21 = arith.constant 1 : i32
      %add3A_22 = arith.addi %select_n3A_19, %add3A_21 : i32
      %select_n3A_23 = arith.constant true
      %select_n3A_24 = arith.select %select_n3A_23, %add3A_22, %select_n3A_19 : i32
      %eq3A_25 = arith.constant 4 : i32
      %eq3A_26 = arith.cmpi eq, %select_n3A_24, %eq3A_25 : i32
      %select_n3A_27 = arith.constant 0 : i32
      %select_n3A_28 = arith.select %eq3A_26, %select_n3A_27, %select_n3A_24 : i32
      %add3A_29 = arith.addi %select_n3A_28, %mul3A_0 : i32
      "tpu.trace_start"() <{level = 10 : i32, message = "ep_initialize_0"}> : () -> ()
      %rem3A = arith.constant 0 : i32
      %rem3A_30 = arith.constant 2 : i32
      %rem3A_31 = arith.remui %rem3A, %rem3A_30 : i32
      %mul3A_32 = arith.constant 128 : i32
      %mul3A_33 = arith.muli %mul3A_32, %add3A_4 : i32
      %dma_start3A = arith.constant 0 : i32
      %dma_start3A_34 = arith.constant 0 : i32
      %dma_start3A_35 = tpu.memref_slice %run_scoped3A[%rem3A_31, %dma_start3A, %dma_start3A_34] : memref<2x1x128xi32, #tpu.memory_space<vmem>> -> memref<1x1x128xi32, #tpu.memory_space<vmem>>
      %dma_start3A_36 = tpu.memref_squeeze %dma_start3A_35 : memref<1x1x128xi32, #tpu.memory_space<vmem>> -> memref<1x128xi32, #tpu.memory_space<vmem>>
      %dma_start3A_37 = arith.constant 0 : i32
      %dma_start3A_38 = tpu.memref_slice %arg3[%dma_start3A_37, %mul3A_33] : memref<1x8192xi32, #tpu.memory_space<hbm>> -> memref<1x128xi32, #tpu.memory_space<hbm>>
      %dma_start3A_39 = tpu.memref_slice %run_scoped3A_1[%rem3A_31] : memref<2x!tpu.dma_semaphore, #tpu.memory_space<semaphore_mem>> -> memref<1x!tpu.dma_semaphore, #tpu.memory_space<semaphore_mem>>
      %dma_start3A_40 = tpu.memref_squeeze %dma_start3A_39 : memref<1x!tpu.dma_semaphore, #tpu.memory_space<semaphore_mem>> -> memref<!tpu.dma_semaphore, #tpu.memory_space<semaphore_mem>>
      %dma_start3A_41 = arith.constant 0 : i32
      %dma_start3A_42 = arith.constant 0 : i32
      %dma_start3A_43 = tpu.memref_slice %run_scoped3A[%rem3A_31, %dma_start3A_41, %dma_start3A_42] : memref<2x1x128xi32, #tpu.memory_space<vmem>> -> memref<1x1x128xi32, #tpu.memory_space<vmem>>
      %dma_start3A_44 = tpu.memref_squeeze %dma_start3A_43 : memref<1x1x128xi32, #tpu.memory_space<vmem>> -> memref<1x128xi32, #tpu.memory_space<vmem>>
      %dma_start3A_45 = arith.constant 0 : i32
      %dma_start3A_46 = tpu.memref_slice %arg3[%dma_start3A_45, %mul3A_33] : memref<1x8192xi32, #tpu.memory_space<hbm>> -> memref<1x128xi32, #tpu.memory_space<hbm>>
      tpu.enqueue_dma source(%dma_start3A_46 : memref<1x128xi32, #tpu.memory_space<hbm>>) target(%dma_start3A_44 : memref<1x128xi32, #tpu.memory_space<vmem>>) target_semaphore(%dma_start3A_40 : memref<!tpu.dma_semaphore, #tpu.memory_space<semaphore_mem>>)
      %add3A_47 = arith.constant 0 : i32
      %add3A_48 = arith.constant 1 : i32
      %add3A_49 = arith.addi %add3A_47, %add3A_48 : i32
      %select_n3A_50 = arith.constant true
      %select_n3A_51 = arith.constant 0 : i32
      %select_n3A_52 = arith.select %select_n3A_50, %add3A_49, %select_n3A_51 : i32
      "tpu.trace_stop"() : () -> ()
      %scan3A = arith.constant 0 : i32
      %scan3A_53 = arith.constant 0 : i32
      %scan3A_54 = arith.constant 0 : i32
      %scan3A_55 = arith.constant 0 : i32
      %scan3A_56 = arith.constant 0 : i32
      %scan3A_57 = arith.constant 4 : i32
      %scan3A_58 = arith.addi %scan3A_56, %scan3A_57 : i32
      %scan3A_59 = arith.constant 1 : i32
      %scan3A_60:5 = scf.for %scan3A_114 = %scan3A_56 to %scan3A_58 step %scan3A_59 iter_args(%scan3A_115 = %select_n3A_52, %scan3A_116 = %scan3A, %scan3A_117 = %scan3A_53, %scan3A_118 = %scan3A_54, %scan3A_119 = %scan3A_55) -> (i32, i32, i32, i32, i32)  : i32 {
        %eq3A_120 = arith.constant 0 : i32
        %eq3A_121 = arith.cmpi eq, %scan3A_114, %eq3A_120 : i32
        %eq3A_122 = arith.constant 3 : i32
        %eq3A_123 = arith.cmpi eq, %scan3A_114, %eq3A_122 : i32
        %add3A_124 = arith.addi %scan3A_119, %mul3A_0 : i32
        %sub3A_125 = arith.constant 1 : i32
        %sub3A_126 = arith.subi %scan3A_119, %sub3A_125 : i32
        %select_n3A_127 = arith.constant true
        %select_n3A_128 = arith.select %select_n3A_127, %sub3A_126, %scan3A_119 : i32
        %eq3A_129 = arith.constant -1 : i32
        %eq3A_130 = arith.cmpi eq, %select_n3A_128, %eq3A_129 : i32
        %select_n3A_131 = arith.constant 3 : i32
        %select_n3A_132 = arith.select %eq3A_130, %select_n3A_131, %select_n3A_128 : i32
        %add3A_133 = arith.addi %select_n3A_132, %mul3A_0 : i32
        %add3A_134 = arith.constant 1 : i32
        %add3A_135 = arith.addi %scan3A_119, %add3A_134 : i32
        %select_n3A_136 = arith.constant true
        %select_n3A_137 = arith.select %select_n3A_136, %add3A_135, %scan3A_119 : i32
        %eq3A_138 = arith.constant 4 : i32
        %eq3A_139 = arith.cmpi eq, %select_n3A_137, %eq3A_138 : i32
        %select_n3A_140 = arith.constant 0 : i32
        %select_n3A_141 = arith.select %eq3A_139, %select_n3A_140, %select_n3A_137 : i32
        %add3A_142 = arith.addi %select_n3A_141, %mul3A_0 : i32
        %add3A_143 = arith.constant 1 : i32
        %add3A_144 = arith.addi %select_n3A_141, %add3A_143 : i32
        %select_n3A_145 = arith.constant true
        %select_n3A_146 = arith.select %select_n3A_145, %add3A_144, %select_n3A_141 : i32
        %eq3A_147 = arith.constant 4 : i32
        %eq3A_148 = arith.cmpi eq, %select_n3A_146, %eq3A_147 : i32
        %select_n3A_149 = arith.constant 0 : i32
        %select_n3A_150 = arith.select %eq3A_148, %select_n3A_149, %select_n3A_146 : i32
        %add3A_151 = arith.addi %select_n3A_150, %mul3A_0 : i32
        %ne3A = arith.cmpi ne, %add3A_124, %add3A_142 : i32
        %or3A = arith.constant false
        %or3A_152 = arith.ori %or3A, %ne3A : i1
        %ge3A = arith.constant 3 : i32
        %ge3A_153 = arith.cmpi sge, %scan3A_114, %ge3A : i32
        %not3A = arith.constant true
        %not3A_154 = arith.xori %ge3A_153, %not3A : i1
        %and3A = arith.andi %or3A_152, %not3A_154 : i1
        %convert_element_type3A = arith.extui %and3A : i1 to i32
        %cond3A = arith.constant 0 : i32
        %cond3A_155 = arith.cmpi ne, %convert_element_type3A, %cond3A : i32
        scf.if %cond3A_155 {
          "tpu.trace_start"() <{level = 10 : i32, message = "ep_copy_in"}> : () -> ()
          %rem3A_257 = arith.constant 2 : i32
          %rem3A_258 = arith.remui %scan3A_115, %rem3A_257 : i32
          %mul3A_259 = arith.constant 128 : i32
          %mul3A_260 = arith.muli %mul3A_259, %add3A_142 : i32
          %dma_start3A_261 = arith.constant 0 : i32
          %dma_start3A_262 = arith.constant 0 : i32
          %dma_start3A_263 = tpu.memref_slice %run_scoped3A[%rem3A_258, %dma_start3A_261, %dma_start3A_262] : memref<2x1x128xi32, #tpu.memory_space<vmem>> -> memref<1x1x128xi32, #tpu.memory_space<vmem>>
          %dma_start3A_264 = tpu.memref_squeeze %dma_start3A_263 : memref<1x1x128xi32, #tpu.memory_space<vmem>> -> memref<1x128xi32, #tpu.memory_space<vmem>>
          %dma_start3A_265 = arith.constant 0 : i32
          %dma_start3A_266 = tpu.memref_slice %arg3[%dma_start3A_265, %mul3A_260] : memref<1x8192xi32, #tpu.memory_space<hbm>> -> memref<1x128xi32, #tpu.memory_space<hbm>>
          %dma_start3A_267 = tpu.memref_slice %run_scoped3A_1[%rem3A_258] : memref<2x!tpu.dma_semaphore, #tpu.memory_space<semaphore_mem>> -> memref<1x!tpu.dma_semaphore, #tpu.memory_space<semaphore_mem>>
          %dma_start3A_268 = tpu.memref_squeeze %dma_start3A_267 : memref<1x!tpu.dma_semaphore, #tpu.memory_space<semaphore_mem>> -> memref<!tpu.dma_semaphore, #tpu.memory_space<semaphore_mem>>
          %dma_start3A_269 = arith.constant 0 : i32
          %dma_start3A_270 = arith.constant 0 : i32
          %dma_start3A_271 = tpu.memref_slice %run_scoped3A[%rem3A_258, %dma_start3A_269, %dma_start3A_270] : memref<2x1x128xi32, #tpu.memory_space<vmem>> -> memref<1x1x128xi32, #tpu.memory_space<vmem>>
          %dma_start3A_272 = tpu.memref_squeeze %dma_start3A_271 : memref<1x1x128xi32, #tpu.memory_space<vmem>> -> memref<1x128xi32, #tpu.memory_space<vmem>>
          %dma_start3A_273 = arith.constant 0 : i32
          %dma_start3A_274 = tpu.memref_slice %arg3[%dma_start3A_273, %mul3A_260] : memref<1x8192xi32, #tpu.memory_space<hbm>> -> memref<1x128xi32, #tpu.memory_space<hbm>>
          tpu.enqueue_dma source(%dma_start3A_274 : memref<1x128xi32, #tpu.memory_space<hbm>>) target(%dma_start3A_272 : memref<1x128xi32, #tpu.memory_space<vmem>>) target_semaphore(%dma_start3A_268 : memref<!tpu.dma_semaphore, #tpu.memory_space<semaphore_mem>>)
          "tpu.trace_stop"() : () -> ()
        } else {
        }
        %and3A_156 = arith.constant true
        %and3A_157 = arith.andi %and3A, %and3A_156 : i1
        %add3A_158 = arith.constant 1 : i32
        %add3A_159 = arith.addi %scan3A_115, %add3A_158 : i32
        %select_n3A_160 = arith.select %and3A_157, %add3A_159, %scan3A_115 : i32
        %ne3A_161 = arith.cmpi ne, %add3A_124, %add3A_142 : i32
        %or3A_162 = arith.constant false
        %or3A_163 = arith.ori %or3A_162, %ne3A_161 : i1
        %or3A_164 = arith.constant false
        %or3A_165 = arith.ori %or3A_163, %or3A_164 : i1
        %ge3A_166 = arith.constant 3 : i32
        %ge3A_167 = arith.cmpi sge, %scan3A_114, %ge3A_166 : i32
        %not3A_168 = arith.constant true
        %not3A_169 = arith.xori %ge3A_167, %not3A_168 : i1
        %and3A_170 = arith.andi %or3A_165, %not3A_169 : i1
        %ne3A_171 = arith.cmpi ne, %add3A_124, %add3A_133 : i32
        %or3A_172 = arith.constant false
        %or3A_173 = arith.ori %or3A_172, %ne3A_171 : i1
        %or3A_174 = arith.ori %or3A_173, %eq3A_121 : i1
        %convert_element_type3A_175 = arith.extui %or3A_174 : i1 to i32
        %cond3A_176 = arith.constant 0 : i32
        %cond3A_177 = arith.cmpi ne, %convert_element_type3A_175, %cond3A_176 : i32
        scf.if %cond3A_177 {
          "tpu.trace_start"() <{level = 10 : i32, message = "ep_wait_in"}> : () -> ()
          %mul3A_257 = arith.constant 128 : i32
          %mul3A_258 = arith.muli %mul3A_257, %add3A_124 : i32
          %rem3A_259 = arith.constant 2 : i32
          %rem3A_260 = arith.remui %scan3A_116, %rem3A_259 : i32
          %dma_wait3A_261 = arith.constant 0 : i32
          %dma_wait3A_262 = arith.constant 0 : i32
          %dma_wait3A_263 = tpu.memref_slice %run_scoped3A[%rem3A_260, %dma_wait3A_261, %dma_wait3A_262] : memref<2x1x128xi32, #tpu.memory_space<vmem>> -> memref<1x1x128xi32, #tpu.memory_space<vmem>>
          %dma_wait3A_264 = tpu.memref_squeeze %dma_wait3A_263 : memref<1x1x128xi32, #tpu.memory_space<vmem>> -> memref<1x128xi32, #tpu.memory_space<vmem>>
          %dma_wait3A_265 = arith.constant 0 : i32
          %dma_wait3A_266 = tpu.memref_slice %arg3[%dma_wait3A_265, %mul3A_258] : memref<1x8192xi32, #tpu.memory_space<hbm>> -> memref<1x128xi32, #tpu.memory_space<hbm>>
          %dma_wait3A_267 = tpu.memref_slice %run_scoped3A_1[%rem3A_260] : memref<2x!tpu.dma_semaphore, #tpu.memory_space<semaphore_mem>> -> memref<1x!tpu.dma_semaphore, #tpu.memory_space<semaphore_mem>>
          %dma_wait3A_268 = tpu.memref_squeeze %dma_wait3A_267 : memref<1x!tpu.dma_semaphore, #tpu.memory_space<semaphore_mem>> -> memref<!tpu.dma_semaphore, #tpu.memory_space<semaphore_mem>>
          %dma_wait3A_269 = arith.constant 0 : i32
          %dma_wait3A_270 = arith.constant 0 : i32
          %dma_wait3A_271 = tpu.memref_slice %run_scoped3A[%rem3A_260, %dma_wait3A_269, %dma_wait3A_270] : memref<2x1x128xi32, #tpu.memory_space<vmem>> -> memref<1x1x128xi32, #tpu.memory_space<vmem>>
          %dma_wait3A_272 = tpu.memref_squeeze %dma_wait3A_271 : memref<1x1x128xi32, #tpu.memory_space<vmem>> -> memref<1x128xi32, #tpu.memory_space<vmem>>
          %dma_wait3A_273 = arith.constant 0 : i32
          %dma_wait3A_274 = tpu.memref_slice %arg3[%dma_wait3A_273, %mul3A_258] : memref<1x8192xi32, #tpu.memory_space<hbm>> -> memref<1x128xi32, #tpu.memory_space<hbm>>
          tpu.wait_dma2 semaphore(%dma_wait3A_268 : memref<!tpu.dma_semaphore, #tpu.memory_space<semaphore_mem>>) src(%dma_wait3A_274 : memref<1x128xi32, #tpu.memory_space<hbm>>) dst(%dma_wait3A_272 : memref<1x128xi32, #tpu.memory_space<vmem>>)
          "tpu.trace_stop"() : () -> ()
        } else {
        }
        %ne3A_178 = arith.cmpi ne, %add3A_124, %add3A_133 : i32
        %or3A_179 = arith.constant false
        %or3A_180 = arith.ori %or3A_179, %ne3A_178 : i1
        %or3A_181 = arith.constant false
        %or3A_182 = arith.ori %or3A_180, %or3A_181 : i1
        %or3A_183 = arith.ori %or3A_182, %eq3A_121 : i1
        %convert_element_type3A_184 = arith.extui %or3A_183 : i1 to i32
        %cond3A_185 = arith.constant 0 : i32
        %cond3A_186 = arith.cmpi ne, %convert_element_type3A_184, %cond3A_185 : i32
        scf.if %cond3A_186 {
        } else {
        }
        %rem3A_187 = arith.constant 2 : i32
        %rem3A_188 = arith.remui %scan3A_116, %rem3A_187 : i32
        %rem3A_189 = arith.constant 2 : i32
        %rem3A_190 = arith.remui %scan3A_117, %rem3A_189 : i32
        %run_scoped3A_191 = arith.constant 0 : i32
        "tpu.trace_start"() <{level = 10 : i32, message = "ep_run_kernel"}> : () -> ()
        "tpu.region"() ({
          %run_scoped3A_257 = tpu.sem_alloc : memref<!tpu.dma_semaphore, #tpu.memory_space<semaphore_mem>>
          %dma_start3A_258 = arith.constant 0 : i32
          %dma_start3A_259 = arith.constant 0 : i32
          %dma_start3A_260 = tpu.memref_slice %run_scoped3A_2[%rem3A_190, %dma_start3A_258, %dma_start3A_259] : memref<2x128x128xf32, #tpu.memory_space<vmem>> -> memref<1x128x128xf32, #tpu.memory_space<vmem>>
          %dma_start3A_261 = tpu.memref_squeeze %dma_start3A_260 : memref<1x128x128xf32, #tpu.memory_space<vmem>> -> memref<128x128xf32, #tpu.memory_space<vmem>>
          %dma_start3A_262 = arith.constant 0 : i32
          %dma_start3A_263 = arith.constant 0 : i32
          %dma_start3A_264 = tpu.memref_slice %run_scoped3A[%rem3A_188, %dma_start3A_262, %dma_start3A_263] : memref<2x1x128xi32, #tpu.memory_space<vmem>> -> memref<1x1x128xi32, #tpu.memory_space<vmem>>
          %dma_start3A_265 = tpu.memref_squeeze %dma_start3A_264 : memref<1x1x128xi32, #tpu.memory_space<vmem>> -> memref<1x128xi32, #tpu.memory_space<vmem>>
          %dma_start3A_266 = arith.constant 0 : i32
          %dma_start3A_267 = tpu.memref_slice %dma_start3A_265[%run_scoped3A_191, %dma_start3A_266] : memref<1x128xi32, #tpu.memory_space<vmem>> -> memref<1x128xi32, #tpu.memory_space<vmem>>
          %dma_start3A_268 = tpu.memref_squeeze %dma_start3A_267 : memref<1x128xi32, #tpu.memory_space<vmem>> -> memref<128xi32, #tpu.memory_space<vmem>>
          %dma_start3A_269 = arith.constant 0 : i32
          %dma_start3A_270 = arith.constant 0 : i32
          %dma_start3A_271 = tpu.memref_slice %arg2[%dma_start3A_269, %dma_start3A_270] : memref<8192x128xf32, #tpu.memory_space<hbm>> -> memref<8192x128xf32, #tpu.memory_space<hbm>>
          tpu.enqueue_indirect_dma source(%dma_start3A_271 : memref<8192x128xf32, #tpu.memory_space<hbm>>) target(%dma_start3A_261 : memref<128x128xf32, #tpu.memory_space<vmem>>) offsets(%dma_start3A_268 : memref<128xi32, #tpu.memory_space<vmem>>) semaphore(%run_scoped3A_257 : memref<!tpu.dma_semaphore, #tpu.memory_space<semaphore_mem>>)
          %dma_wait3A_272 = arith.constant 0 : i32
          %dma_wait3A_273 = arith.constant 0 : i32
          %dma_wait3A_274 = tpu.memref_slice %run_scoped3A_2[%rem3A_190, %dma_wait3A_272, %dma_wait3A_273] : memref<2x128x128xf32, #tpu.memory_space<vmem>> -> memref<1x128x128xf32, #tpu.memory_space<vmem>>
          %dma_wait3A_275 = tpu.memref_squeeze %dma_wait3A_274 : memref<1x128x128xf32, #tpu.memory_space<vmem>> -> memref<128x128xf32, #tpu.memory_space<vmem>>
          %dma_wait3A_276 = arith.constant 0 : i32
          %dma_wait3A_277 = arith.constant 0 : i32
          %dma_wait3A_278 = tpu.memref_slice %run_scoped3A[%rem3A_188, %dma_wait3A_276, %dma_wait3A_277] : memref<2x1x128xi32, #tpu.memory_space<vmem>> -> memref<1x1x128xi32, #tpu.memory_space<vmem>>
          %dma_wait3A_279 = tpu.memref_squeeze %dma_wait3A_278 : memref<1x1x128xi32, #tpu.memory_space<vmem>> -> memref<1x128xi32, #tpu.memory_space<vmem>>
          %dma_wait3A_280 = arith.constant 0 : i32
          %dma_wait3A_281 = tpu.memref_slice %dma_wait3A_279[%run_scoped3A_191, %dma_wait3A_280] : memref<1x128xi32, #tpu.memory_space<vmem>> -> memref<1x128xi32, #tpu.memory_space<vmem>>
          %dma_wait3A_282 = tpu.memref_squeeze %dma_wait3A_281 : memref<1x128xi32, #tpu.memory_space<vmem>> -> memref<128xi32, #tpu.memory_space<vmem>>
          %dma_wait3A_283 = arith.constant 0 : i32
          %dma_wait3A_284 = arith.constant 0 : i32
          %dma_wait3A_285 = tpu.memref_slice %arg2[%dma_wait3A_283, %dma_wait3A_284] : memref<8192x128xf32, #tpu.memory_space<hbm>> -> memref<8192x128xf32, #tpu.memory_space<hbm>>
          tpu.wait_indirect_dma semaphore(%run_scoped3A_257 : memref<!tpu.dma_semaphore, #tpu.memory_space<semaphore_mem>>) src(%dma_wait3A_285 : memref<8192x128xf32, #tpu.memory_space<hbm>>) dst(%dma_wait3A_275 : memref<128x128xf32, #tpu.memory_space<vmem>>)
          tpu.yield
        }) : () -> ()
        "tpu.trace_stop"() : () -> ()
        %ne3A_192 = arith.cmpi ne, %add3A_124, %add3A_142 : i32
        %or3A_193 = arith.constant false
        %or3A_194 = arith.ori %or3A_193, %ne3A_192 : i1
        %or3A_195 = arith.ori %or3A_194, %eq3A_123 : i1
        %convert_element_type3A_196 = arith.extui %or3A_195 : i1 to i32
        %cond3A_197 = arith.constant 0 : i32
        %cond3A_198 = arith.cmpi ne, %convert_element_type3A_196, %cond3A_197 : i32
        scf.if %cond3A_198 {
        } else {
        }
        %and3A_199 = arith.constant false
        %and3A_200 = arith.andi %or3A_195, %and3A_199 : i1
        %ne3A_201 = arith.cmpi ne, %add3A_124, %add3A_142 : i32
        %or3A_202 = arith.constant false
        %or3A_203 = arith.ori %or3A_202, %ne3A_201 : i1
        %or3A_204 = arith.constant false
        %or3A_205 = arith.ori %or3A_203, %or3A_204 : i1
        %or3A_206 = arith.ori %or3A_205, %eq3A_123 : i1
        %convert_element_type3A_207 = arith.extui %or3A_206 : i1 to i32
        %cond3A_208 = arith.constant 0 : i32
        %cond3A_209 = arith.cmpi ne, %convert_element_type3A_207, %cond3A_208 : i32
        scf.if %cond3A_209 {
          "tpu.trace_start"() <{level = 10 : i32, message = "ep_copy_out"}> : () -> ()
          %rem3A_257 = arith.constant 2 : i32
          %rem3A_258 = arith.remui %scan3A_117, %rem3A_257 : i32
          %mul3A_259 = arith.constant 128 : i32
          %mul3A_260 = arith.muli %mul3A_259, %add3A_124 : i32
          %dma_start3A_261 = arith.constant 0 : i32
          %dma_start3A_262 = arith.constant 0 : i32
          %dma_start3A_263 = tpu.memref_slice %run_scoped3A_2[%rem3A_258, %dma_start3A_261, %dma_start3A_262] : memref<2x128x128xf32, #tpu.memory_space<vmem>> -> memref<1x128x128xf32, #tpu.memory_space<vmem>>
          %dma_start3A_264 = tpu.memref_squeeze %dma_start3A_263 : memref<1x128x128xf32, #tpu.memory_space<vmem>> -> memref<128x128xf32, #tpu.memory_space<vmem>>
          %dma_start3A_265 = arith.constant 0 : i32
          %dma_start3A_266 = tpu.memref_slice %arg4[%mul3A_260, %dma_start3A_265] : memref<8192x128xf32, #tpu.memory_space<hbm>> -> memref<128x128xf32, #tpu.memory_space<hbm>>
          %dma_start3A_267 = tpu.memref_slice %run_scoped3A_3[%rem3A_258] : memref<2x!tpu.dma_semaphore, #tpu.memory_space<semaphore_mem>> -> memref<1x!tpu.dma_semaphore, #tpu.memory_space<semaphore_mem>>
          %dma_start3A_268 = tpu.memref_squeeze %dma_start3A_267 : memref<1x!tpu.dma_semaphore, #tpu.memory_space<semaphore_mem>> -> memref<!tpu.dma_semaphore, #tpu.memory_space<semaphore_mem>>
          %dma_start3A_269 = arith.constant 0 : i32
          %dma_start3A_270 = tpu.memref_slice %arg4[%mul3A_260, %dma_start3A_269] : memref<8192x128xf32, #tpu.memory_space<hbm>> -> memref<128x128xf32, #tpu.memory_space<hbm>>
          %dma_start3A_271 = arith.constant 0 : i32
          %dma_start3A_272 = arith.constant 0 : i32
          %dma_start3A_273 = tpu.memref_slice %run_scoped3A_2[%rem3A_258, %dma_start3A_271, %dma_start3A_272] : memref<2x128x128xf32, #tpu.memory_space<vmem>> -> memref<1x128x128xf32, #tpu.memory_space<vmem>>
          %dma_start3A_274 = tpu.memref_squeeze %dma_start3A_273 : memref<1x128x128xf32, #tpu.memory_space<vmem>> -> memref<128x128xf32, #tpu.memory_space<vmem>>
          tpu.enqueue_dma source(%dma_start3A_274 : memref<128x128xf32, #tpu.memory_space<vmem>>) target(%dma_start3A_270 : memref<128x128xf32, #tpu.memory_space<hbm>>) target_semaphore(%dma_start3A_268 : memref<!tpu.dma_semaphore, #tpu.memory_space<semaphore_mem>>)
          "tpu.trace_stop"() : () -> ()
        } else {
        }
        %and3A_210 = arith.constant true
        %and3A_211 = arith.andi %or3A_206, %and3A_210 : i1
        %add3A_212 = arith.constant 1 : i32
        %add3A_213 = arith.addi %scan3A_117, %add3A_212 : i32
        %select_n3A_214 = arith.select %and3A_211, %add3A_213, %scan3A_117 : i32
        %ne3A_215 = arith.cmpi ne, %add3A_124, %add3A_133 : i32
        %or3A_216 = arith.constant false
        %or3A_217 = arith.ori %or3A_216, %ne3A_215 : i1
        %not3A_218 = arith.constant true
        %not3A_219 = arith.xori %eq3A_121, %not3A_218 : i1
        %and3A_220 = arith.andi %or3A_217, %not3A_219 : i1
        %convert_element_type3A_221 = arith.extui %and3A_220 : i1 to i32
        %cond3A_222 = arith.constant 0 : i32
        %cond3A_223 = arith.cmpi ne, %convert_element_type3A_221, %cond3A_222 : i32
        scf.if %cond3A_223 {
        } else {
        }
        %and3A_224 = arith.constant false
        %and3A_225 = arith.andi %and3A_220, %and3A_224 : i1
        %ne3A_226 = arith.cmpi ne, %add3A_124, %add3A_133 : i32
        %or3A_227 = arith.constant false
        %or3A_228 = arith.ori %or3A_227, %ne3A_226 : i1
        %or3A_229 = arith.constant false
        %or3A_230 = arith.ori %or3A_228, %or3A_229 : i1
        %not3A_231 = arith.constant true
        %not3A_232 = arith.xori %eq3A_121, %not3A_231 : i1
        %and3A_233 = arith.andi %or3A_230, %not3A_232 : i1
        %convert_element_type3A_234 = arith.extui %and3A_233 : i1 to i32
        %cond3A_235 = arith.constant 0 : i32
        %cond3A_236 = arith.cmpi ne, %convert_element_type3A_234, %cond3A_235 : i32
        scf.if %cond3A_236 {
          "tpu.trace_start"() <{level = 10 : i32, message = "ep_wait_out"}> : () -> ()
          %rem3A_257 = arith.constant 2 : i32
          %rem3A_258 = arith.remui %scan3A_118, %rem3A_257 : i32
          %mul3A_259 = arith.constant 128 : i32
          %mul3A_260 = arith.muli %mul3A_259, %add3A_133 : i32
          %dma_wait3A_261 = arith.constant 0 : i32
          %dma_wait3A_262 = arith.constant 0 : i32
          %dma_wait3A_263 = tpu.memref_slice %run_scoped3A_2[%rem3A_258, %dma_wait3A_261, %dma_wait3A_262] : memref<2x128x128xf32, #tpu.memory_space<vmem>> -> memref<1x128x128xf32, #tpu.memory_space<vmem>>
          %dma_wait3A_264 = tpu.memref_squeeze %dma_wait3A_263 : memref<1x128x128xf32, #tpu.memory_space<vmem>> -> memref<128x128xf32, #tpu.memory_space<vmem>>
          %dma_wait3A_265 = arith.constant 0 : i32
          %dma_wait3A_266 = tpu.memref_slice %arg4[%mul3A_260, %dma_wait3A_265] : memref<8192x128xf32, #tpu.memory_space<hbm>> -> memref<128x128xf32, #tpu.memory_space<hbm>>
          %dma_wait3A_267 = tpu.memref_slice %run_scoped3A_3[%rem3A_258] : memref<2x!tpu.dma_semaphore, #tpu.memory_space<semaphore_mem>> -> memref<1x!tpu.dma_semaphore, #tpu.memory_space<semaphore_mem>>
          %dma_wait3A_268 = tpu.memref_squeeze %dma_wait3A_267 : memref<1x!tpu.dma_semaphore, #tpu.memory_space<semaphore_mem>> -> memref<!tpu.dma_semaphore, #tpu.memory_space<semaphore_mem>>
          %dma_wait3A_269 = arith.constant 0 : i32
          %dma_wait3A_270 = tpu.memref_slice %arg4[%mul3A_260, %dma_wait3A_269] : memref<8192x128xf32, #tpu.memory_space<hbm>> -> memref<128x128xf32, #tpu.memory_space<hbm>>
          %dma_wait3A_271 = arith.constant 0 : i32
          %dma_wait3A_272 = arith.constant 0 : i32
          %dma_wait3A_273 = tpu.memref_slice %run_scoped3A_2[%rem3A_258, %dma_wait3A_271, %dma_wait3A_272] : memref<2x128x128xf32, #tpu.memory_space<vmem>> -> memref<1x128x128xf32, #tpu.memory_space<vmem>>
          %dma_wait3A_274 = tpu.memref_squeeze %dma_wait3A_273 : memref<1x128x128xf32, #tpu.memory_space<vmem>> -> memref<128x128xf32, #tpu.memory_space<vmem>>
          tpu.wait_dma2 semaphore(%dma_wait3A_268 : memref<!tpu.dma_semaphore, #tpu.memory_space<semaphore_mem>>) src(%dma_wait3A_274 : memref<128x128xf32, #tpu.memory_space<vmem>>) dst(%dma_wait3A_270 : memref<128x128xf32, #tpu.memory_space<hbm>>)
          "tpu.trace_stop"() : () -> ()
        } else {
        }
        %and3A_237 = arith.constant true
        %and3A_238 = arith.andi %and3A_233, %and3A_237 : i1
        %add3A_239 = arith.constant 1 : i32
        %add3A_240 = arith.addi %scan3A_118, %add3A_239 : i32
        %select_n3A_241 = arith.select %and3A_238, %add3A_240, %scan3A_118 : i32
        %ne3A_242 = arith.cmpi ne, %add3A_124, %add3A_142 : i32
        %or3A_243 = arith.constant false
        %or3A_244 = arith.ori %or3A_243, %ne3A_242 : i1
        %or3A_245 = arith.ori %or3A_244, %eq3A_123 : i1
        %add3A_246 = arith.constant 1 : i32
        %add3A_247 = arith.addi %scan3A_116, %add3A_246 : i32
        %select_n3A_248 = arith.select %or3A_245, %add3A_247, %scan3A_116 : i32
        %add3A_249 = arith.constant 1 : i32
        %add3A_250 = arith.addi %scan3A_119, %add3A_249 : i32
        %select_n3A_251 = arith.constant true
        %select_n3A_252 = arith.select %select_n3A_251, %add3A_250, %scan3A_119 : i32
        %eq3A_253 = arith.constant 4 : i32
        %eq3A_254 = arith.cmpi eq, %select_n3A_252, %eq3A_253 : i32
        %select_n3A_255 = arith.constant 0 : i32
        %select_n3A_256 = arith.select %eq3A_254, %select_n3A_255, %select_n3A_252 : i32
        scf.yield %select_n3A_160, %select_n3A_248, %select_n3A_214, %select_n3A_241, %select_n3A_256 : i32, i32, i32, i32, i32
      }
      %scan3A_61 = arith.constant 4 : i32
      %sub3A = arith.constant 1 : i32
      %sub3A_62 = arith.subi %scan3A_60#4, %sub3A : i32
      %select_n3A_63 = arith.constant true
      %select_n3A_64 = arith.select %select_n3A_63, %sub3A_62, %scan3A_60#4 : i32
      %eq3A_65 = arith.constant -1 : i32
      %eq3A_66 = arith.cmpi eq, %select_n3A_64, %eq3A_65 : i32
      %select_n3A_67 = arith.constant 3 : i32
      %select_n3A_68 = arith.select %eq3A_66, %select_n3A_67, %select_n3A_64 : i32
      %add3A_69 = arith.addi %select_n3A_68, %mul3A_0 : i32
      %sub3A_70 = arith.constant 1 : i32
      %sub3A_71 = arith.subi %select_n3A_68, %sub3A_70 : i32
      %select_n3A_72 = arith.constant true
      %select_n3A_73 = arith.select %select_n3A_72, %sub3A_71, %select_n3A_68 : i32
      %eq3A_74 = arith.constant -1 : i32
      %eq3A_75 = arith.cmpi eq, %select_n3A_73, %eq3A_74 : i32
      %select_n3A_76 = arith.constant 3 : i32
      %select_n3A_77 = arith.select %eq3A_75, %select_n3A_76, %select_n3A_73 : i32
      %add3A_78 = arith.addi %select_n3A_77, %mul3A_0 : i32
      %add3A_79 = arith.constant 1 : i32
      %add3A_80 = arith.addi %select_n3A_68, %add3A_79 : i32
      %select_n3A_81 = arith.constant true
      %select_n3A_82 = arith.select %select_n3A_81, %add3A_80, %select_n3A_68 : i32
      %eq3A_83 = arith.constant 4 : i32
      %eq3A_84 = arith.cmpi eq, %select_n3A_82, %eq3A_83 : i32
      %select_n3A_85 = arith.constant 0 : i32
      %select_n3A_86 = arith.select %eq3A_84, %select_n3A_85, %select_n3A_82 : i32
      %add3A_87 = arith.addi %select_n3A_86, %mul3A_0 : i32
      %add3A_88 = arith.constant 1 : i32
      %add3A_89 = arith.addi %select_n3A_86, %add3A_88 : i32
      %select_n3A_90 = arith.constant true
      %select_n3A_91 = arith.select %select_n3A_90, %add3A_89, %select_n3A_86 : i32
      %eq3A_92 = arith.constant 4 : i32
      %eq3A_93 = arith.cmpi eq, %select_n3A_91, %eq3A_92 : i32
      %select_n3A_94 = arith.constant 0 : i32
      %select_n3A_95 = arith.select %eq3A_93, %select_n3A_94, %select_n3A_91 : i32
      %add3A_96 = arith.addi %select_n3A_95, %mul3A_0 : i32
      "tpu.trace_start"() <{level = 10 : i32, message = "ep_finalize"}> : () -> ()
      %rem3A_97 = arith.constant 2 : i32
      %rem3A_98 = arith.remui %scan3A_60#3, %rem3A_97 : i32
      %mul3A_99 = arith.constant 128 : i32
      %mul3A_100 = arith.muli %mul3A_99, %add3A_69 : i32
      %dma_wait3A = arith.constant 0 : i32
      %dma_wait3A_101 = arith.constant 0 : i32
      %dma_wait3A_102 = tpu.memref_slice %run_scoped3A_2[%rem3A_98, %dma_wait3A, %dma_wait3A_101] : memref<2x128x128xf32, #tpu.memory_space<vmem>> -> memref<1x128x128xf32, #tpu.memory_space<vmem>>
      %dma_wait3A_103 = tpu.memref_squeeze %dma_wait3A_102 : memref<1x128x128xf32, #tpu.memory_space<vmem>> -> memref<128x128xf32, #tpu.memory_space<vmem>>
      %dma_wait3A_104 = arith.constant 0 : i32
      %dma_wait3A_105 = tpu.memref_slice %arg4[%mul3A_100, %dma_wait3A_104] : memref<8192x128xf32, #tpu.memory_space<hbm>> -> memref<128x128xf32, #tpu.memory_space<hbm>>
      %dma_wait3A_106 = tpu.memref_slice %run_scoped3A_3[%rem3A_98] : memref<2x!tpu.dma_semaphore, #tpu.memory_space<semaphore_mem>> -> memref<1x!tpu.dma_semaphore, #tpu.memory_space<semaphore_mem>>
      %dma_wait3A_107 = tpu.memref_squeeze %dma_wait3A_106 : memref<1x!tpu.dma_semaphore, #tpu.memory_space<semaphore_mem>> -> memref<!tpu.dma_semaphore, #tpu.memory_space<semaphore_mem>>
      %dma_wait3A_108 = arith.constant 0 : i32
      %dma_wait3A_109 = tpu.memref_slice %arg4[%mul3A_100, %dma_wait3A_108] : memref<8192x128xf32, #tpu.memory_space<hbm>> -> memref<128x128xf32, #tpu.memory_space<hbm>>
      %dma_wait3A_110 = arith.constant 0 : i32
      %dma_wait3A_111 = arith.constant 0 : i32
      %dma_wait3A_112 = tpu.memref_slice %run_scoped3A_2[%rem3A_98, %dma_wait3A_110, %dma_wait3A_111] : memref<2x128x128xf32, #tpu.memory_space<vmem>> -> memref<1x128x128xf32, #tpu.memory_space<vmem>>
      %dma_wait3A_113 = tpu.memref_squeeze %dma_wait3A_112 : memref<1x128x128xf32, #tpu.memory_space<vmem>> -> memref<128x128xf32, #tpu.memory_space<vmem>>
      tpu.wait_dma2 semaphore(%dma_wait3A_107 : memref<!tpu.dma_semaphore, #tpu.memory_space<semaphore_mem>>) src(%dma_wait3A_113 : memref<128x128xf32, #tpu.memory_space<vmem>>) dst(%dma_wait3A_109 : memref<128x128xf32, #tpu.memory_space<hbm>>)
      "tpu.trace_stop"() : () -> ()
      tpu.yield
    }) : () -> ()
    return
  }
}

#map = affine_map<(d0, d1) -> (0, 0)>
module attributes {stable_mosaic.version = 14 : i64} {
  func.func @gather_kernel(%arg0: i32, %arg1: i32, %arg2: memref<8192x128xf32, #tpu.memory_space<hbm>>, %arg3: memref<1x8192xi32, #tpu.memory_space<hbm>>, %arg4: memref<8192x128xf32, #tpu.memory_space<hbm>>) attributes {dimension_semantics = [#tpu.dimension_semantics<core_parallel>, #tpu.dimension_semantics<subcore_parallel>], iteration_bounds = array<i64: 2, 16>, scalar_prefetch = 0 : i64, scratch_operands = 0 : i64, tpu.core_type = #tpu.core_type<sc_vector_subcore>, window_params = [{transform_indices = #map}, {transform_indices = #map}, {transform_indices = #map}]} {
    %mul3A = arith.constant 4 : i32
    %mul3A_0 = arith.muli %arg1, %mul3A : i32
    "tpu.region"() ({
      %run_scoped3A = memref.alloca() : memref<2x1x128xi32, #tpu.memory_space<vmem>>
      %run_scoped3A_1 = tpu.sem_alloc : memref<2x!tpu.dma_semaphore, #tpu.memory_space<semaphore_mem>>
      %run_scoped3A_2 = memref.alloca() : memref<2x128x128xf32, #tpu.memory_space<vmem>>
      %run_scoped3A_3 = tpu.sem_alloc : memref<2x!tpu.dma_semaphore, #tpu.memory_space<semaphore_mem>>
      %add3A = arith.constant 0 : i32
      %add3A_4 = arith.addi %add3A, %mul3A_0 : i32
      %select_n3A = arith.constant true
      %select_n3A_5 = arith.constant 0 : i32
      %select_n3A_6 = arith.constant -1 : i32
      %select_n3A_7 = arith.select %select_n3A, %select_n3A_6, %select_n3A_5 : i32
      %eq3A = arith.constant -1 : i32
      %eq3A_8 = arith.cmpi eq, %select_n3A_7, %eq3A : i32
      %select_n3A_9 = arith.constant 3 : i32
      %select_n3A_10 = arith.select %eq3A_8, %select_n3A_9, %select_n3A_7 : i32
      %add3A_11 = arith.addi %select_n3A_10, %mul3A_0 : i32
      %select_n3A_12 = arith.constant true
      %select_n3A_13 = arith.constant 0 : i32
      %select_n3A_14 = arith.constant 1 : i32
      %select_n3A_15 = arith.select %select_n3A_12, %select_n3A_14, %select_n3A_13 : i32
      %eq3A_16 = arith.constant 4 : i32
      %eq3A_17 = arith.cmpi eq, %select_n3A_15, %eq3A_16 : i32
      %select_n3A_18 = arith.constant 0 : i32
      %select_n3A_19 = arith.select %eq3A_17, %select_n3A_18, %select_n3A_15 : i32
      %add3A_20 = arith.addi %select_n3A_19, %mul3A_0 : i32
      %add3A_21 = arith.constant 1 : i32
      %add3A_22 = arith.addi %select_n3A_19, %add3A_21 : i32
      %select_n3A_23 = arith.constant true
      %select_n3A_24 = arith.select %select_n3A_23, %add3A_22, %select_n3A_19 : i32
      %eq3A_25 = arith.constant 4 : i32
      %eq3A_26 = arith.cmpi eq, %select_n3A_24, %eq3A_25 : i32
      %select_n3A_27 = arith.constant 0 : i32
      %select_n3A_28 = arith.select %eq3A_26, %select_n3A_27, %select_n3A_24 : i32
      %add3A_29 = arith.addi %select_n3A_28, %mul3A_0 : i32
      "tpu.trace_start"() <{level = 10 : i32, message = "ep_initialize_0"}> : () -> ()
      %rem3A = arith.constant 0 : i32
      %rem3A_30 = arith.constant 2 : i32
      %rem3A_31 = arith.remui %rem3A, %rem3A_30 : i32
      %mul3A_32 = arith.constant 128 : i32
      %mul3A_33 = arith.muli %mul3A_32, %add3A_4 : i32
      %dma_start3A = arith.constant 0 : i32
      %dma_start3A_34 = arith.constant 0 : i32
      %dma_start3A_35 = tpu.memref_slice %run_scoped3A[%rem3A_31, %dma_start3A, %dma_start3A_34] : memref<2x1x128xi32, #tpu.memory_space<vmem>> -> memref<1x1x128xi32, #tpu.memory_space<vmem>>
      %dma_start3A_36 = tpu.memref_squeeze %dma_start3A_35 : memref<1x1x128xi32, #tpu.memory_space<vmem>> -> memref<1x128xi32, #tpu.memory_space<vmem>>
      %dma_start3A_37 = arith.constant 0 : i32
      %dma_start3A_38 = tpu.memref_slice %arg3[%dma_start3A_37, %mul3A_33] : memref<1x8192xi32, #tpu.memory_space<hbm>> -> memref<1x128xi32, #tpu.memory_space<hbm>>
      %dma_start3A_39 = tpu.memref_slice %run_scoped3A_1[%rem3A_31] : memref<2x!tpu.dma_semaphore, #tpu.memory_space<semaphore_mem>> -> memref<1x!tpu.dma_semaphore, #tpu.memory_space<semaphore_mem>>
      %dma_start3A_40 = tpu.memref_squeeze %dma_start3A_39 : memref<1x!tpu.dma_semaphore, #tpu.memory_space<semaphore_mem>> -> memref<!tpu.dma_semaphore, #tpu.memory_space<semaphore_mem>>
      %dma_start3A_41 = arith.constant 0 : i32
      %dma_start3A_42 = arith.constant 0 : i32
      %dma_start3A_43 = tpu.memref_slice %run_scoped3A[%rem3A_31, %dma_start3A_41, %dma_start3A_42] : memref<2x1x128xi32, #tpu.memory_space<vmem>> -> memref<1x1x128xi32, #tpu.memory_space<vmem>>
      %dma_start3A_44 = tpu.memref_squeeze %dma_start3A_43 : memref<1x1x128xi32, #tpu.memory_space<vmem>> -> memref<1x128xi32, #tpu.memory_space<vmem>>
      %dma_start3A_45 = arith.constant 0 : i32
      %dma_start3A_46 = tpu.memref_slice %arg3[%dma_start3A_45, %mul3A_33] : memref<1x8192xi32, #tpu.memory_space<hbm>> -> memref<1x128xi32, #tpu.memory_space<hbm>>
      tpu.enqueue_dma source(%dma_start3A_46 : memref<1x128xi32, #tpu.memory_space<hbm>>) target(%dma_start3A_44 : memref<1x128xi32, #tpu.memory_space<vmem>>) target_semaphore(%dma_start3A_40 : memref<!tpu.dma_semaphore, #tpu.memory_space<semaphore_mem>>)
      %add3A_47 = arith.constant 0 : i32
      %add3A_48 = arith.constant 1 : i32
      %add3A_49 = arith.addi %add3A_47, %add3A_48 : i32
      %select_n3A_50 = arith.constant true
      %select_n3A_51 = arith.constant 0 : i32
      %select_n3A_52 = arith.select %select_n3A_50, %add3A_49, %select_n3A_51 : i32
      "tpu.trace_stop"() : () -> ()
      %scan3A = arith.constant 0 : i32
      %scan3A_53 = arith.constant 0 : i32
      %scan3A_54 = arith.constant 0 : i32
      %scan3A_55 = arith.constant 0 : i32
      %scan3A_56 = arith.constant 0 : i32
      %scan3A_57 = arith.constant 4 : i32
      %scan3A_58 = arith.addi %scan3A_56, %scan3A_57 : i32
      %scan3A_59 = arith.constant 1 : i32
      %scan3A_60:5 = scf.for %scan3A_114 = %scan3A_56 to %scan3A_58 step %scan3A_59 iter_args(%scan3A_115 = %select_n3A_52, %scan3A_116 = %scan3A, %scan3A_117 = %scan3A_53, %scan3A_118 = %scan3A_54, %scan3A_119 = %scan3A_55) -> (i32, i32, i32, i32, i32)  : i32 {
        %eq3A_120 = arith.constant 0 : i32
        %eq3A_121 = arith.cmpi eq, %scan3A_114, %eq3A_120 : i32
        %eq3A_122 = arith.constant 3 : i32
        %eq3A_123 = arith.cmpi eq, %scan3A_114, %eq3A_122 : i32
        %add3A_124 = arith.addi %scan3A_119, %mul3A_0 : i32
        %sub3A_125 = arith.constant 1 : i32
        %sub3A_126 = arith.subi %scan3A_119, %sub3A_125 : i32
        %select_n3A_127 = arith.constant true
        %select_n3A_128 = arith.select %select_n3A_127, %sub3A_126, %scan3A_119 : i32
        %eq3A_129 = arith.constant -1 : i32
        %eq3A_130 = arith.cmpi eq, %select_n3A_128, %eq3A_129 : i32
        %select_n3A_131 = arith.constant 3 : i32
        %select_n3A_132 = arith.select %eq3A_130, %select_n3A_131, %select_n3A_128 : i32
        %add3A_133 = arith.addi %select_n3A_132, %mul3A_0 : i32
        %add3A_134 = arith.constant 1 : i32
        %add3A_135 = arith.addi %scan3A_119, %add3A_134 : i32
        %select_n3A_136 = arith.constant true
        %select_n3A_137 = arith.select %select_n3A_136, %add3A_135, %scan3A_119 : i32
        %eq3A_138 = arith.constant 4 : i32
        %eq3A_139 = arith.cmpi eq, %select_n3A_137, %eq3A_138 : i32
        %select_n3A_140 = arith.constant 0 : i32
        %select_n3A_141 = arith.select %eq3A_139, %select_n3A_140, %select_n3A_137 : i32
        %add3A_142 = arith.addi %select_n3A_141, %mul3A_0 : i32
        %add3A_143 = arith.constant 1 : i32
        %add3A_144 = arith.addi %select_n3A_141, %add3A_143 : i32
        %select_n3A_145 = arith.constant true
        %select_n3A_146 = arith.select %select_n3A_145, %add3A_144, %select_n3A_141 : i32
        %eq3A_147 = arith.constant 4 : i32
        %eq3A_148 = arith.cmpi eq, %select_n3A_146, %eq3A_147 : i32
        %select_n3A_149 = arith.constant 0 : i32
        %select_n3A_150 = arith.select %eq3A_148, %select_n3A_149, %select_n3A_146 : i32
        %add3A_151 = arith.addi %select_n3A_150, %mul3A_0 : i32
        %ne3A = arith.cmpi ne, %add3A_124, %add3A_142 : i32
        %or3A = arith.constant false
        %or3A_152 = arith.ori %or3A, %ne3A : i1
        %ge3A = arith.constant 3 : i32
        %ge3A_153 = arith.cmpi sge, %scan3A_114, %ge3A : i32
        %not3A = arith.constant true
        %not3A_154 = arith.xori %ge3A_153, %not3A : i1
        %and3A = arith.andi %or3A_152, %not3A_154 : i1
        %convert_element_type3A = arith.extui %and3A : i1 to i32
        %cond3A = arith.constant 0 : i32
        %cond3A_155 = arith.cmpi ne, %convert_element_type3A, %cond3A : i32
        scf.if %cond3A_155 {
          "tpu.trace_start"() <{level = 10 : i32, message = "ep_copy_in"}> : () -> ()
          %rem3A_257 = arith.constant 2 : i32
          %rem3A_258 = arith.remui %scan3A_115, %rem3A_257 : i32
          %mul3A_259 = arith.constant 128 : i32
          %mul3A_260 = arith.muli %mul3A_259, %add3A_142 : i32
          %dma_start3A_261 = arith.constant 0 : i32
          %dma_start3A_262 = arith.constant 0 : i32
          %dma_start3A_263 = tpu.memref_slice %run_scoped3A[%rem3A_258, %dma_start3A_261, %dma_start3A_262] : memref<2x1x128xi32, #tpu.memory_space<vmem>> -> memref<1x1x128xi32, #tpu.memory_space<vmem>>
          %dma_start3A_264 = tpu.memref_squeeze %dma_start3A_263 : memref<1x1x128xi32, #tpu.memory_space<vmem>> -> memref<1x128xi32, #tpu.memory_space<vmem>>
          %dma_start3A_265 = arith.constant 0 : i32
          %dma_start3A_266 = tpu.memref_slice %arg3[%dma_start3A_265, %mul3A_260] : memref<1x8192xi32, #tpu.memory_space<hbm>> -> memref<1x128xi32, #tpu.memory_space<hbm>>
          %dma_start3A_267 = tpu.memref_slice %run_scoped3A_1[%rem3A_258] : memref<2x!tpu.dma_semaphore, #tpu.memory_space<semaphore_mem>> -> memref<1x!tpu.dma_semaphore, #tpu.memory_space<semaphore_mem>>
          %dma_start3A_268 = tpu.memref_squeeze %dma_start3A_267 : memref<1x!tpu.dma_semaphore, #tpu.memory_space<semaphore_mem>> -> memref<!tpu.dma_semaphore, #tpu.memory_space<semaphore_mem>>
          %dma_start3A_269 = arith.constant 0 : i32
          %dma_start3A_270 = arith.constant 0 : i32
          %dma_start3A_271 = tpu.memref_slice %run_scoped3A[%rem3A_258, %dma_start3A_269, %dma_start3A_270] : memref<2x1x128xi32, #tpu.memory_space<vmem>> -> memref<1x1x128xi32, #tpu.memory_space<vmem>>
          %dma_start3A_272 = tpu.memref_squeeze %dma_start3A_271 : memref<1x1x128xi32, #tpu.memory_space<vmem>> -> memref<1x128xi32, #tpu.memory_space<vmem>>
          %dma_start3A_273 = arith.constant 0 : i32
          %dma_start3A_274 = tpu.memref_slice %arg3[%dma_start3A_273, %mul3A_260] : memref<1x8192xi32, #tpu.memory_space<hbm>> -> memref<1x128xi32, #tpu.memory_space<hbm>>
          tpu.enqueue_dma source(%dma_start3A_274 : memref<1x128xi32, #tpu.memory_space<hbm>>) target(%dma_start3A_272 : memref<1x128xi32, #tpu.memory_space<vmem>>) target_semaphore(%dma_start3A_268 : memref<!tpu.dma_semaphore, #tpu.memory_space<semaphore_mem>>)
          "tpu.trace_stop"() : () -> ()
        } else {
        }
        %and3A_156 = arith.constant true
        %and3A_157 = arith.andi %and3A, %and3A_156 : i1
        %add3A_158 = arith.constant 1 : i32
        %add3A_159 = arith.addi %scan3A_115, %add3A_158 : i32
        %select_n3A_160 = arith.select %and3A_157, %add3A_159, %scan3A_115 : i32
        %ne3A_161 = arith.cmpi ne, %add3A_124, %add3A_142 : i32
        %or3A_162 = arith.constant false
        %or3A_163 = arith.ori %or3A_162, %ne3A_161 : i1
        %or3A_164 = arith.constant false
        %or3A_165 = arith.ori %or3A_163, %or3A_164 : i1
        %ge3A_166 = arith.constant 3 : i32
        %ge3A_167 = arith.cmpi sge, %scan3A_114, %ge3A_166 : i32
        %not3A_168 = arith.constant true
        %not3A_169 = arith.xori %ge3A_167, %not3A_168 : i1
        %and3A_170 = arith.andi %or3A_165, %not3A_169 : i1
        %ne3A_171 = arith.cmpi ne, %add3A_124, %add3A_133 : i32
        %or3A_172 = arith.constant false
        %or3A_173 = arith.ori %or3A_172, %ne3A_171 : i1
        %or3A_174 = arith.ori %or3A_173, %eq3A_121 : i1
        %convert_element_type3A_175 = arith.extui %or3A_174 : i1 to i32
        %cond3A_176 = arith.constant 0 : i32
        %cond3A_177 = arith.cmpi ne, %convert_element_type3A_175, %cond3A_176 : i32
        scf.if %cond3A_177 {
          "tpu.trace_start"() <{level = 10 : i32, message = "ep_wait_in"}> : () -> ()
          %mul3A_257 = arith.constant 128 : i32
          %mul3A_258 = arith.muli %mul3A_257, %add3A_124 : i32
          %rem3A_259 = arith.constant 2 : i32
          %rem3A_260 = arith.remui %scan3A_116, %rem3A_259 : i32
          %dma_wait3A_261 = arith.constant 0 : i32
          %dma_wait3A_262 = arith.constant 0 : i32
          %dma_wait3A_263 = tpu.memref_slice %run_scoped3A[%rem3A_260, %dma_wait3A_261, %dma_wait3A_262] : memref<2x1x128xi32, #tpu.memory_space<vmem>> -> memref<1x1x128xi32, #tpu.memory_space<vmem>>
          %dma_wait3A_264 = tpu.memref_squeeze %dma_wait3A_263 : memref<1x1x128xi32, #tpu.memory_space<vmem>> -> memref<1x128xi32, #tpu.memory_space<vmem>>
          %dma_wait3A_265 = arith.constant 0 : i32
          %dma_wait3A_266 = tpu.memref_slice %arg3[%dma_wait3A_265, %mul3A_258] : memref<1x8192xi32, #tpu.memory_space<hbm>> -> memref<1x128xi32, #tpu.memory_space<hbm>>
          %dma_wait3A_267 = tpu.memref_slice %run_scoped3A_1[%rem3A_260] : memref<2x!tpu.dma_semaphore, #tpu.memory_space<semaphore_mem>> -> memref<1x!tpu.dma_semaphore, #tpu.memory_space<semaphore_mem>>
          %dma_wait3A_268 = tpu.memref_squeeze %dma_wait3A_267 : memref<1x!tpu.dma_semaphore, #tpu.memory_space<semaphore_mem>> -> memref<!tpu.dma_semaphore, #tpu.memory_space<semaphore_mem>>
          %dma_wait3A_269 = arith.constant 0 : i32
          %dma_wait3A_270 = arith.constant 0 : i32
          %dma_wait3A_271 = tpu.memref_slice %run_scoped3A[%rem3A_260, %dma_wait3A_269, %dma_wait3A_270] : memref<2x1x128xi32, #tpu.memory_space<vmem>> -> memref<1x1x128xi32, #tpu.memory_space<vmem>>
          %dma_wait3A_272 = tpu.memref_squeeze %dma_wait3A_271 : memref<1x1x128xi32, #tpu.memory_space<vmem>> -> memref<1x128xi32, #tpu.memory_space<vmem>>
          %dma_wait3A_273 = arith.constant 0 : i32
          %dma_wait3A_274 = tpu.memref_slice %arg3[%dma_wait3A_273, %mul3A_258] : memref<1x8192xi32, #tpu.memory_space<hbm>> -> memref<1x128xi32, #tpu.memory_space<hbm>>
          tpu.wait_dma2 semaphore(%dma_wait3A_268 : memref<!tpu.dma_semaphore, #tpu.memory_space<semaphore_mem>>) src(%dma_wait3A_274 : memref<1x128xi32, #tpu.memory_space<hbm>>) dst(%dma_wait3A_272 : memref<1x128xi32, #tpu.memory_space<vmem>>)
          "tpu.trace_stop"() : () -> ()
        } else {
        }
        %ne3A_178 = arith.cmpi ne, %add3A_124, %add3A_133 : i32
        %or3A_179 = arith.constant false
        %or3A_180 = arith.ori %or3A_179, %ne3A_178 : i1
        %or3A_181 = arith.constant false
        %or3A_182 = arith.ori %or3A_180, %or3A_181 : i1
        %or3A_183 = arith.ori %or3A_182, %eq3A_121 : i1
        %convert_element_type3A_184 = arith.extui %or3A_183 : i1 to i32
        %cond3A_185 = arith.constant 0 : i32
        %cond3A_186 = arith.cmpi ne, %convert_element_type3A_184, %cond3A_185 : i32
        scf.if %cond3A_186 {
        } else {
        }
        %rem3A_187 = arith.constant 2 : i32
        %rem3A_188 = arith.remui %scan3A_116, %rem3A_187 : i32
        %rem3A_189 = arith.constant 2 : i32
        %rem3A_190 = arith.remui %scan3A_117, %rem3A_189 : i32
        %run_scoped3A_191 = arith.constant 0 : i32
        "tpu.trace_start"() <{level = 10 : i32, message = "ep_run_kernel"}> : () -> ()
        "tpu.region"() ({
          %run_scoped3A_257 = tpu.sem_alloc : memref<!tpu.dma_semaphore, #tpu.memory_space<semaphore_mem>>
          %dma_start3A_258 = arith.constant 0 : i32
          %dma_start3A_259 = arith.constant 0 : i32
          %dma_start3A_260 = tpu.memref_slice %run_scoped3A_2[%rem3A_190, %dma_start3A_258, %dma_start3A_259] : memref<2x128x128xf32, #tpu.memory_space<vmem>> -> memref<1x128x128xf32, #tpu.memory_space<vmem>>
          %dma_start3A_261 = tpu.memref_squeeze %dma_start3A_260 : memref<1x128x128xf32, #tpu.memory_space<vmem>> -> memref<128x128xf32, #tpu.memory_space<vmem>>
          %dma_start3A_262 = arith.constant 0 : i32
          %dma_start3A_263 = arith.constant 0 : i32
          %dma_start3A_264 = tpu.memref_slice %run_scoped3A[%rem3A_188, %dma_start3A_262, %dma_start3A_263] : memref<2x1x128xi32, #tpu.memory_space<vmem>> -> memref<1x1x128xi32, #tpu.memory_space<vmem>>
          %dma_start3A_265 = tpu.memref_squeeze %dma_start3A_264 : memref<1x1x128xi32, #tpu.memory_space<vmem>> -> memref<1x128xi32, #tpu.memory_space<vmem>>
          %dma_start3A_266 = arith.constant 0 : i32
          %dma_start3A_267 = tpu.memref_slice %dma_start3A_265[%run_scoped3A_191, %dma_start3A_266] : memref<1x128xi32, #tpu.memory_space<vmem>> -> memref<1x128xi32, #tpu.memory_space<vmem>>
          %dma_start3A_268 = tpu.memref_squeeze %dma_start3A_267 : memref<1x128xi32, #tpu.memory_space<vmem>> -> memref<128xi32, #tpu.memory_space<vmem>>
          %dma_start3A_269 = arith.constant 0 : i32
          %dma_start3A_270 = arith.constant 0 : i32
          %dma_start3A_271 = tpu.memref_slice %arg2[%dma_start3A_269, %dma_start3A_270] : memref<8192x128xf32, #tpu.memory_space<hbm>> -> memref<8192x128xf32, #tpu.memory_space<hbm>>
          tpu.enqueue_indirect_dma source(%dma_start3A_271 : memref<8192x128xf32, #tpu.memory_space<hbm>>) target(%dma_start3A_261 : memref<128x128xf32, #tpu.memory_space<vmem>>) offsets(%dma_start3A_268 : memref<128xi32, #tpu.memory_space<vmem>>) semaphore(%run_scoped3A_257 : memref<!tpu.dma_semaphore, #tpu.memory_space<semaphore_mem>>)
          %dma_wait3A_272 = arith.constant 0 : i32
          %dma_wait3A_273 = arith.constant 0 : i32
          %dma_wait3A_274 = tpu.memref_slice %run_scoped3A_2[%rem3A_190, %dma_wait3A_272, %dma_wait3A_273] : memref<2x128x128xf32, #tpu.memory_space<vmem>> -> memref<1x128x128xf32, #tpu.memory_space<vmem>>
          %dma_wait3A_275 = tpu.memref_squeeze %dma_wait3A_274 : memref<1x128x128xf32, #tpu.memory_space<vmem>> -> memref<128x128xf32, #tpu.memory_space<vmem>>
          %dma_wait3A_276 = arith.constant 0 : i32
          %dma_wait3A_277 = arith.constant 0 : i32
          %dma_wait3A_278 = tpu.memref_slice %run_scoped3A[%rem3A_188, %dma_wait3A_276, %dma_wait3A_277] : memref<2x1x128xi32, #tpu.memory_space<vmem>> -> memref<1x1x128xi32, #tpu.memory_space<vmem>>
          %dma_wait3A_279 = tpu.memref_squeeze %dma_wait3A_278 : memref<1x1x128xi32, #tpu.memory_space<vmem>> -> memref<1x128xi32, #tpu.memory_space<vmem>>
          %dma_wait3A_280 = arith.constant 0 : i32
          %dma_wait3A_281 = tpu.memref_slice %dma_wait3A_279[%run_scoped3A_191, %dma_wait3A_280] : memref<1x128xi32, #tpu.memory_space<vmem>> -> memref<1x128xi32, #tpu.memory_space<vmem>>
          %dma_wait3A_282 = tpu.memref_squeeze %dma_wait3A_281 : memref<1x128xi32, #tpu.memory_space<vmem>> -> memref<128xi32, #tpu.memory_space<vmem>>
          %dma_wait3A_283 = arith.constant 0 : i32
          %dma_wait3A_284 = arith.constant 0 : i32
          %dma_wait3A_285 = tpu.memref_slice %arg2[%dma_wait3A_283, %dma_wait3A_284] : memref<8192x128xf32, #tpu.memory_space<hbm>> -> memref<8192x128xf32, #tpu.memory_space<hbm>>
          tpu.wait_indirect_dma semaphore(%run_scoped3A_257 : memref<!tpu.dma_semaphore, #tpu.memory_space<semaphore_mem>>) src(%dma_wait3A_285 : memref<8192x128xf32, #tpu.memory_space<hbm>>) dst(%dma_wait3A_275 : memref<128x128xf32, #tpu.memory_space<vmem>>)
          tpu.yield
        }) : () -> ()
        "tpu.trace_stop"() : () -> ()
        %ne3A_192 = arith.cmpi ne, %add3A_124, %add3A_142 : i32
        %or3A_193 = arith.constant false
        %or3A_194 = arith.ori %or3A_193, %ne3A_192 : i1
        %or3A_195 = arith.ori %or3A_194, %eq3A_123 : i1
        %convert_element_type3A_196 = arith.extui %or3A_195 : i1 to i32
        %cond3A_197 = arith.constant 0 : i32
        %cond3A_198 = arith.cmpi ne, %convert_element_type3A_196, %cond3A_197 : i32
        scf.if %cond3A_198 {
        } else {
        }
        %and3A_199 = arith.constant false
        %and3A_200 = arith.andi %or3A_195, %and3A_199 : i1
        %ne3A_201 = arith.cmpi ne, %add3A_124, %add3A_142 : i32
        %or3A_202 = arith.constant false
        %or3A_203 = arith.ori %or3A_202, %ne3A_201 : i1
        %or3A_204 = arith.constant false
        %or3A_205 = arith.ori %or3A_203, %or3A_204 : i1
        %or3A_206 = arith.ori %or3A_205, %eq3A_123 : i1
        %convert_element_type3A_207 = arith.extui %or3A_206 : i1 to i32
        %cond3A_208 = arith.constant 0 : i32
        %cond3A_209 = arith.cmpi ne, %convert_element_type3A_207, %cond3A_208 : i32
        scf.if %cond3A_209 {
          "tpu.trace_start"() <{level = 10 : i32, message = "ep_copy_out"}> : () -> ()
          %rem3A_257 = arith.constant 2 : i32
          %rem3A_258 = arith.remui %scan3A_117, %rem3A_257 : i32
          %mul3A_259 = arith.constant 128 : i32
          %mul3A_260 = arith.muli %mul3A_259, %add3A_124 : i32
          %dma_start3A_261 = arith.constant 0 : i32
          %dma_start3A_262 = arith.constant 0 : i32
          %dma_start3A_263 = tpu.memref_slice %run_scoped3A_2[%rem3A_258, %dma_start3A_261, %dma_start3A_262] : memref<2x128x128xf32, #tpu.memory_space<vmem>> -> memref<1x128x128xf32, #tpu.memory_space<vmem>>
          %dma_start3A_264 = tpu.memref_squeeze %dma_start3A_263 : memref<1x128x128xf32, #tpu.memory_space<vmem>> -> memref<128x128xf32, #tpu.memory_space<vmem>>
          %dma_start3A_265 = arith.constant 0 : i32
          %dma_start3A_266 = tpu.memref_slice %arg4[%mul3A_260, %dma_start3A_265] : memref<8192x128xf32, #tpu.memory_space<hbm>> -> memref<128x128xf32, #tpu.memory_space<hbm>>
          %dma_start3A_267 = tpu.memref_slice %run_scoped3A_3[%rem3A_258] : memref<2x!tpu.dma_semaphore, #tpu.memory_space<semaphore_mem>> -> memref<1x!tpu.dma_semaphore, #tpu.memory_space<semaphore_mem>>
          %dma_start3A_268 = tpu.memref_squeeze %dma_start3A_267 : memref<1x!tpu.dma_semaphore, #tpu.memory_space<semaphore_mem>> -> memref<!tpu.dma_semaphore, #tpu.memory_space<semaphore_mem>>
          %dma_start3A_269 = arith.constant 0 : i32
          %dma_start3A_270 = tpu.memref_slice %arg4[%mul3A_260, %dma_start3A_269] : memref<8192x128xf32, #tpu.memory_space<hbm>> -> memref<128x128xf32, #tpu.memory_space<hbm>>
          %dma_start3A_271 = arith.constant 0 : i32
          %dma_start3A_272 = arith.constant 0 : i32
          %dma_start3A_273 = tpu.memref_slice %run_scoped3A_2[%rem3A_258, %dma_start3A_271, %dma_start3A_272] : memref<2x128x128xf32, #tpu.memory_space<vmem>> -> memref<1x128x128xf32, #tpu.memory_space<vmem>>
          %dma_start3A_274 = tpu.memref_squeeze %dma_start3A_273 : memref<1x128x128xf32, #tpu.memory_space<vmem>> -> memref<128x128xf32, #tpu.memory_space<vmem>>
          tpu.enqueue_dma source(%dma_start3A_274 : memref<128x128xf32, #tpu.memory_space<vmem>>) target(%dma_start3A_270 : memref<128x128xf32, #tpu.memory_space<hbm>>) target_semaphore(%dma_start3A_268 : memref<!tpu.dma_semaphore, #tpu.memory_space<semaphore_mem>>)
          "tpu.trace_stop"() : () -> ()
        } else {
        }
        %and3A_210 = arith.constant true
        %and3A_211 = arith.andi %or3A_206, %and3A_210 : i1
        %add3A_212 = arith.constant 1 : i32
        %add3A_213 = arith.addi %scan3A_117, %add3A_212 : i32
        %select_n3A_214 = arith.select %and3A_211, %add3A_213, %scan3A_117 : i32
        %ne3A_215 = arith.cmpi ne, %add3A_124, %add3A_133 : i32
        %or3A_216 = arith.constant false
        %or3A_217 = arith.ori %or3A_216, %ne3A_215 : i1
        %not3A_218 = arith.constant true
        %not3A_219 = arith.xori %eq3A_121, %not3A_218 : i1
        %and3A_220 = arith.andi %or3A_217, %not3A_219 : i1
        %convert_element_type3A_221 = arith.extui %and3A_220 : i1 to i32
        %cond3A_222 = arith.constant 0 : i32
        %cond3A_223 = arith.cmpi ne, %convert_element_type3A_221, %cond3A_222 : i32
        scf.if %cond3A_223 {
        } else {
        }
        %and3A_224 = arith.constant false
        %and3A_225 = arith.andi %and3A_220, %and3A_224 : i1
        %ne3A_226 = arith.cmpi ne, %add3A_124, %add3A_133 : i32
        %or3A_227 = arith.constant false
        %or3A_228 = arith.ori %or3A_227, %ne3A_226 : i1
        %or3A_229 = arith.constant false
        %or3A_230 = arith.ori %or3A_228, %or3A_229 : i1
        %not3A_231 = arith.constant true
        %not3A_232 = arith.xori %eq3A_121, %not3A_231 : i1
        %and3A_233 = arith.andi %or3A_230, %not3A_232 : i1
        %convert_element_type3A_234 = arith.extui %and3A_233 : i1 to i32
        %cond3A_235 = arith.constant 0 : i32
        %cond3A_236 = arith.cmpi ne, %convert_element_type3A_234, %cond3A_235 : i32
        scf.if %cond3A_236 {
          "tpu.trace_start"() <{level = 10 : i32, message = "ep_wait_out"}> : () -> ()
          %rem3A_257 = arith.constant 2 : i32
          %rem3A_258 = arith.remui %scan3A_118, %rem3A_257 : i32
          %mul3A_259 = arith.constant 128 : i32
          %mul3A_260 = arith.muli %mul3A_259, %add3A_133 : i32
          %dma_wait3A_261 = arith.constant 0 : i32
          %dma_wait3A_262 = arith.constant 0 : i32
          %dma_wait3A_263 = tpu.memref_slice %run_scoped3A_2[%rem3A_258, %dma_wait3A_261, %dma_wait3A_262] : memref<2x128x128xf32, #tpu.memory_space<vmem>> -> memref<1x128x128xf32, #tpu.memory_space<vmem>>
          %dma_wait3A_264 = tpu.memref_squeeze %dma_wait3A_263 : memref<1x128x128xf32, #tpu.memory_space<vmem>> -> memref<128x128xf32, #tpu.memory_space<vmem>>
          %dma_wait3A_265 = arith.constant 0 : i32
          %dma_wait3A_266 = tpu.memref_slice %arg4[%mul3A_260, %dma_wait3A_265] : memref<8192x128xf32, #tpu.memory_space<hbm>> -> memref<128x128xf32, #tpu.memory_space<hbm>>
          %dma_wait3A_267 = tpu.memref_slice %run_scoped3A_3[%rem3A_258] : memref<2x!tpu.dma_semaphore, #tpu.memory_space<semaphore_mem>> -> memref<1x!tpu.dma_semaphore, #tpu.memory_space<semaphore_mem>>
          %dma_wait3A_268 = tpu.memref_squeeze %dma_wait3A_267 : memref<1x!tpu.dma_semaphore, #tpu.memory_space<semaphore_mem>> -> memref<!tpu.dma_semaphore, #tpu.memory_space<semaphore_mem>>
          %dma_wait3A_269 = arith.constant 0 : i32
          %dma_wait3A_270 = tpu.memref_slice %arg4[%mul3A_260, %dma_wait3A_269] : memref<8192x128xf32, #tpu.memory_space<hbm>> -> memref<128x128xf32, #tpu.memory_space<hbm>>
          %dma_wait3A_271 = arith.constant 0 : i32
          %dma_wait3A_272 = arith.constant 0 : i32
          %dma_wait3A_273 = tpu.memref_slice %run_scoped3A_2[%rem3A_258, %dma_wait3A_271, %dma_wait3A_272] : memref<2x128x128xf32, #tpu.memory_space<vmem>> -> memref<1x128x128xf32, #tpu.memory_space<vmem>>
          %dma_wait3A_274 = tpu.memref_squeeze %dma_wait3A_273 : memref<1x128x128xf32, #tpu.memory_space<vmem>> -> memref<128x128xf32, #tpu.memory_space<vmem>>
          tpu.wait_dma2 semaphore(%dma_wait3A_268 : memref<!tpu.dma_semaphore, #tpu.memory_space<semaphore_mem>>) src(%dma_wait3A_274 : memref<128x128xf32, #tpu.memory_space<vmem>>) dst(%dma_wait3A_270 : memref<128x128xf32, #tpu.memory_space<hbm>>)
          "tpu.trace_stop"() : () -> ()
        } else {
        }
        %and3A_237 = arith.constant true
        %and3A_238 = arith.andi %and3A_233, %and3A_237 : i1
        %add3A_239 = arith.constant 1 : i32
        %add3A_240 = arith.addi %scan3A_118, %add3A_239 : i32
        %select_n3A_241 = arith.select %and3A_238, %add3A_240, %scan3A_118 : i32
        %ne3A_242 = arith.cmpi ne, %add3A_124, %add3A_142 : i32
        %or3A_243 = arith.constant false
        %or3A_244 = arith.ori %or3A_243, %ne3A_242 : i1
        %or3A_245 = arith.ori %or3A_244, %eq3A_123 : i1
        %add3A_246 = arith.constant 1 : i32
        %add3A_247 = arith.addi %scan3A_116, %add3A_246 : i32
        %select_n3A_248 = arith.select %or3A_245, %add3A_247, %scan3A_116 : i32
        %add3A_249 = arith.constant 1 : i32
        %add3A_250 = arith.addi %scan3A_119, %add3A_249 : i32
        %select_n3A_251 = arith.constant true
        %select_n3A_252 = arith.select %select_n3A_251, %add3A_250, %scan3A_119 : i32
        %eq3A_253 = arith.constant 4 : i32
        %eq3A_254 = arith.cmpi eq, %select_n3A_252, %eq3A_253 : i32
        %select_n3A_255 = arith.constant 0 : i32
        %select_n3A_256 = arith.select %eq3A_254, %select_n3A_255, %select_n3A_252 : i32
        scf.yield %select_n3A_160, %select_n3A_248, %select_n3A_214, %select_n3A_241, %select_n3A_256 : i32, i32, i32, i32, i32
      }
      %scan3A_61 = arith.constant 4 : i32
      %sub3A = arith.constant 1 : i32
      %sub3A_62 = arith.subi %scan3A_60#4, %sub3A : i32
      %select_n3A_63 = arith.constant true
      %select_n3A_64 = arith.select %select_n3A_63, %sub3A_62, %scan3A_60#4 : i32
      %eq3A_65 = arith.constant -1 : i32
      %eq3A_66 = arith.cmpi eq, %select_n3A_64, %eq3A_65 : i32
      %select_n3A_67 = arith.constant 3 : i32
      %select_n3A_68 = arith.select %eq3A_66, %select_n3A_67, %select_n3A_64 : i32
      %add3A_69 = arith.addi %select_n3A_68, %mul3A_0 : i32
      %sub3A_70 = arith.constant 1 : i32
      %sub3A_71 = arith.subi %select_n3A_68, %sub3A_70 : i32
      %select_n3A_72 = arith.constant true
      %select_n3A_73 = arith.select %select_n3A_72, %sub3A_71, %select_n3A_68 : i32
      %eq3A_74 = arith.constant -1 : i32
      %eq3A_75 = arith.cmpi eq, %select_n3A_73, %eq3A_74 : i32
      %select_n3A_76 = arith.constant 3 : i32
      %select_n3A_77 = arith.select %eq3A_75, %select_n3A_76, %select_n3A_73 : i32
      %add3A_78 = arith.addi %select_n3A_77, %mul3A_0 : i32
      %add3A_79 = arith.constant 1 : i32
      %add3A_80 = arith.addi %select_n3A_68, %add3A_79 : i32
      %select_n3A_81 = arith.constant true
      %select_n3A_82 = arith.select %select_n3A_81, %add3A_80, %select_n3A_68 : i32
      %eq3A_83 = arith.constant 4 : i32
      %eq3A_84 = arith.cmpi eq, %select_n3A_82, %eq3A_83 : i32
      %select_n3A_85 = arith.constant 0 : i32
      %select_n3A_86 = arith.select %eq3A_84, %select_n3A_85, %select_n3A_82 : i32
      %add3A_87 = arith.addi %select_n3A_86, %mul3A_0 : i32
      %add3A_88 = arith.constant 1 : i32
      %add3A_89 = arith.addi %select_n3A_86, %add3A_88 : i32
      %select_n3A_90 = arith.constant true
      %select_n3A_91 = arith.select %select_n3A_90, %add3A_89, %select_n3A_86 : i32
      %eq3A_92 = arith.constant 4 : i32
      %eq3A_93 = arith.cmpi eq, %select_n3A_91, %eq3A_92 : i32
      %select_n3A_94 = arith.constant 0 : i32
      %select_n3A_95 = arith.select %eq3A_93, %select_n3A_94, %select_n3A_91 : i32
      %add3A_96 = arith.addi %select_n3A_95, %mul3A_0 : i32
      "tpu.trace_start"() <{level = 10 : i32, message = "ep_finalize"}> : () -> ()
      %rem3A_97 = arith.constant 2 : i32
      %rem3A_98 = arith.remui %scan3A_60#3, %rem3A_97 : i32
      %mul3A_99 = arith.constant 128 : i32
      %mul3A_100 = arith.muli %mul3A_99, %add3A_69 : i32
      %dma_wait3A = arith.constant 0 : i32
      %dma_wait3A_101 = arith.constant 0 : i32
      %dma_wait3A_102 = tpu.memref_slice %run_scoped3A_2[%rem3A_98, %dma_wait3A, %dma_wait3A_101] : memref<2x128x128xf32, #tpu.memory_space<vmem>> -> memref<1x128x128xf32, #tpu.memory_space<vmem>>
      %dma_wait3A_103 = tpu.memref_squeeze %dma_wait3A_102 : memref<1x128x128xf32, #tpu.memory_space<vmem>> -> memref<128x128xf32, #tpu.memory_space<vmem>>
      %dma_wait3A_104 = arith.constant 0 : i32
      %dma_wait3A_105 = tpu.memref_slice %arg4[%mul3A_100, %dma_wait3A_104] : memref<8192x128xf32, #tpu.memory_space<hbm>> -> memref<128x128xf32, #tpu.memory_space<hbm>>
      %dma_wait3A_106 = tpu.memref_slice %run_scoped3A_3[%rem3A_98] : memref<2x!tpu.dma_semaphore, #tpu.memory_space<semaphore_mem>> -> memref<1x!tpu.dma_semaphore, #tpu.memory_space<semaphore_mem>>
      %dma_wait3A_107 = tpu.memref_squeeze %dma_wait3A_106 : memref<1x!tpu.dma_semaphore, #tpu.memory_space<semaphore_mem>> -> memref<!tpu.dma_semaphore, #tpu.memory_space<semaphore_mem>>
      %dma_wait3A_108 = arith.constant 0 : i32
      %dma_wait3A_109 = tpu.memref_slice %arg4[%mul3A_100, %dma_wait3A_108] : memref<8192x128xf32, #tpu.memory_space<hbm>> -> memref<128x128xf32, #tpu.memory_space<hbm>>
      %dma_wait3A_110 = arith.constant 0 : i32
      %dma_wait3A_111 = arith.constant 0 : i32
      %dma_wait3A_112 = tpu.memref_slice %run_scoped3A_2[%rem3A_98, %dma_wait3A_110, %dma_wait3A_111] : memref<2x128x128xf32, #tpu.memory_space<vmem>> -> memref<1x128x128xf32, #tpu.memory_space<vmem>>
      %dma_wait3A_113 = tpu.memref_squeeze %dma_wait3A_112 : memref<1x128x128xf32, #tpu.memory_space<vmem>> -> memref<128x128xf32, #tpu.memory_space<vmem>>
      tpu.wait_dma2 semaphore(%dma_wait3A_107 : memref<!tpu.dma_semaphore, #tpu.memory_space<semaphore_mem>>) src(%dma_wait3A_113 : memref<128x128xf32, #tpu.memory_space<vmem>>) dst(%dma_wait3A_109 : memref<128x128xf32, #tpu.memory_space<hbm>>)
      "tpu.trace_stop"() : () -> ()
      tpu.yield
    }) : () -> ()
    return
  }
}

module attributes {stable_mosaic.version = 14 : i64} {
  func.func @_dist_argmin_body(%arg0: i32, %arg1: memref<512x1xf32, #tpu.memory_space<vmem>>, %arg2: memref<512x32xf32, #tpu.memory_space<vmem>>, %arg3: memref<32x8192xf32, #tpu.memory_space<vmem>>, %arg4: memref<1x8192xf32, #tpu.memory_space<vmem>>, %arg5: memref<1x1x512xi32, #tpu.memory_space<vmem>>, %arg6: memref<1x1x512xf32, #tpu.memory_space<vmem>>) attributes {dimension_semantics = [#tpu.dimension_semantics<arbitrary>], iteration_bounds = array<i64: 16>, scalar_prefetch = 0 : i64, scratch_operands = 0 : i64, tpu.core_type = #tpu.core_type<tc>, window_params = [{transform_indices = @transform_0, window_bounds = array<i64: 512, 1>}, {transform_indices = @transform_1, window_bounds = array<i64: 512, 32>}, {pipeline_mode = #tpu.pipeline_mode<synchronous>, transform_indices = @transform_2, window_bounds = array<i64: 32, 8192>}, {pipeline_mode = #tpu.pipeline_mode<synchronous>, transform_indices = @transform_3, window_bounds = array<i64: 1, 8192>}, {transform_indices = @transform_4, window_bounds = array<i64: 1, 1, 512>}, {transform_indices = @transform_5, window_bounds = array<i64: 1, 1, 512>}]} {
    %get3A = arith.constant 0 : index
    %get3A_0 = arith.constant 0 : index
    %get3A_1 = vector.load %arg2[%get3A, %get3A_0] : memref<512x32xf32, #tpu.memory_space<vmem>>, vector<512x32xf32>
    %convert_element_type3A = arith.truncf %get3A_1 : vector<512x32xf32> to vector<512x32xbf16>
    %convert_element_type3A_2 = arith.extf %convert_element_type3A : vector<512x32xbf16> to vector<512x32xf32>
    %get3A_3 = arith.constant 0 : index
    %get3A_4 = arith.constant 0 : index
    %get3A_5 = vector.load %arg3[%get3A_3, %get3A_4] : memref<32x8192xf32, #tpu.memory_space<vmem>>, vector<32x8192xf32>
    %dot_general3A = arith.constant dense<0.000000e+00> : vector<512x8192xf32>
    %dot_general3A_6 = tpu.matmul %convert_element_type3A_2, %get3A_5, %dot_general3A {dimension_numbers = #tpu.dot_dimension_numbers<[1], [0], [0], [1], [0, 0, 1, 1], [], []>, transpose_lhs_hint = false} : vector<512x32xf32>, vector<32x8192xf32>, vector<512x8192xf32> -> vector<512x8192xf32>
    %get3A_7 = arith.constant 0 : index
    %get3A_8 = arith.constant 0 : index
    %get3A_9 = vector.load %arg1[%get3A_7, %get3A_8] : memref<512x1xf32, #tpu.memory_space<vmem>>, vector<512x1xf32>
    %get3A_10 = arith.constant 0 : index
    %get3A_11 = arith.constant 0 : index
    %get3A_12 = vector.load %arg4[%get3A_10, %get3A_11] : memref<1x8192xf32, #tpu.memory_space<vmem>>, vector<1x8192xf32>
    %add3A = vector.broadcast %get3A_9 : vector<512x1xf32> to vector<512x8192xf32>
    %add3A_13 = vector.broadcast %get3A_12 : vector<1x8192xf32> to vector<512x8192xf32>
    %add3A_14 = arith.addf %add3A, %add3A_13 : vector<512x8192xf32>
    %mul3A = arith.constant 2.000000e+00 : f32
    %mul3A_15 = vector.broadcast %mul3A : f32 to vector<512x8192xf32>
    %mul3A_16 = arith.mulf %mul3A_15, %dot_general3A_6 : vector<512x8192xf32>
    %sub3A = arith.subf %add3A_14, %mul3A_16 : vector<512x8192xf32>
    %iota3A = tpu.iota {dimensions = array<i32: 1>} : vector<512x4096xi32>
    %slice3A = vector.extract_strided_slice %sub3A {offsets = [0, 0], sizes = [512, 4096], strides = [1, 1]} : vector<512x8192xf32> to vector<512x4096xf32>
    %reduce_min3A = arith.constant dense<0x7F800000> : vector<512xf32>
    %reduce_min3A_17 = vector.multi_reduction <minimumf>, %slice3A, %reduce_min3A [1] : vector<512x4096xf32> to vector<512xf32>
    %broadcast_in_dim3A = vector.shape_cast %reduce_min3A_17 : vector<512xf32> to vector<512x1xf32>
    %eq3A = vector.broadcast %broadcast_in_dim3A : vector<512x1xf32> to vector<512x4096xf32>
    %eq3A_18 = arith.cmpf oeq, %slice3A, %eq3A : vector<512x4096xf32>
    %jit3A = arith.constant 4096 : i32
    %broadcast_in_dim3A_19 = vector.broadcast %jit3A : i32 to vector<512x4096xi32>
    %select_n3A = arith.select %eq3A_18, %iota3A, %broadcast_in_dim3A_19 : vector<512x4096xi1>, vector<512x4096xi32>
    %reduce_min3A_20 = arith.constant dense<2147483647> : vector<512xi32>
    %reduce_min3A_21 = vector.multi_reduction <minsi>, %select_n3A, %reduce_min3A_20 [1] : vector<512x4096xi32> to vector<512xi32>
    %add3A_22 = arith.constant 0 : i32
    %add3A_23 = vector.broadcast %add3A_22 : i32 to vector<512xi32>
    %add3A_24 = arith.addi %reduce_min3A_21, %add3A_23 : vector<512xi32>
    %convert_element_type3A_25 = arith.truncf %reduce_min3A_17 : vector<512xf32> to vector<512xbf16>
    %convert_element_type3A_26 = arith.extf %convert_element_type3A_25 : vector<512xbf16> to vector<512xf32>
    %slice3A_27 = vector.extract_strided_slice %sub3A {offsets = [0, 4096], sizes = [512, 4096], strides = [1, 1]} : vector<512x8192xf32> to vector<512x4096xf32>
    %reduce_min3A_28 = arith.constant dense<0x7F800000> : vector<512xf32>
    %reduce_min3A_29 = vector.multi_reduction <minimumf>, %slice3A_27, %reduce_min3A_28 [1] : vector<512x4096xf32> to vector<512xf32>
    %broadcast_in_dim3A_30 = vector.shape_cast %reduce_min3A_29 : vector<512xf32> to vector<512x1xf32>
    %eq3A_31 = vector.broadcast %broadcast_in_dim3A_30 : vector<512x1xf32> to vector<512x4096xf32>
    %eq3A_32 = arith.cmpf oeq, %slice3A_27, %eq3A_31 : vector<512x4096xf32>
    %jit3A_33 = arith.constant 4096 : i32
    %broadcast_in_dim3A_34 = vector.broadcast %jit3A_33 : i32 to vector<512x4096xi32>
    %select_n3A_35 = arith.select %eq3A_32, %iota3A, %broadcast_in_dim3A_34 : vector<512x4096xi1>, vector<512x4096xi32>
    %reduce_min3A_36 = arith.constant dense<2147483647> : vector<512xi32>
    %reduce_min3A_37 = vector.multi_reduction <minsi>, %select_n3A_35, %reduce_min3A_36 [1] : vector<512x4096xi32> to vector<512xi32>
    %add3A_38 = arith.constant 4096 : i32
    %add3A_39 = vector.broadcast %add3A_38 : i32 to vector<512xi32>
    %add3A_40 = arith.addi %reduce_min3A_37, %add3A_39 : vector<512xi32>
    %lt3A = arith.cmpf olt, %reduce_min3A_29, %convert_element_type3A_26 : vector<512xf32>
    %eq3A_41 = arith.cmpf oeq, %reduce_min3A_29, %convert_element_type3A_26 : vector<512xf32>
    %lt3A_42 = arith.cmpi slt, %add3A_40, %add3A_24 : vector<512xi32>
    %and3A = arith.andi %eq3A_41, %lt3A_42 : vector<512xi1>
    %or3A = arith.ori %lt3A, %and3A : vector<512xi1>
    %select_n3A_43 = arith.select %or3A, %add3A_40, %add3A_24 : vector<512xi1>, vector<512xi32>
    %select_n3A_44 = arith.select %or3A, %reduce_min3A_29, %reduce_min3A_17 : vector<512xi1>, vector<512xf32>
    %swap3A = arith.constant 0 : index
    %swap3A_45 = arith.constant 0 : index
    %swap3A_46 = arith.constant 0 : index
    %swap3A_47 = vector.load %arg5[%swap3A, %swap3A_45, %swap3A_46] : memref<1x1x512xi32, #tpu.memory_space<vmem>>, vector<1x1x512xi32>
    %swap3A_48 = vector.shape_cast %swap3A_47 : vector<1x1x512xi32> to vector<512xi32>
    %swap3A_49 = vector.shape_cast %select_n3A_43 : vector<512xi32> to vector<1x1x512xi32>
    tpu.vector_store %arg5[%swap3A, %swap3A_45, %swap3A_46], %swap3A_49 {strides = array<i32>} : memref<1x1x512xi32, #tpu.memory_space<vmem>>, vector<1x1x512xi32>,
    %swap3A_50 = arith.constant 0 : index
    %swap3A_51 = arith.constant 0 : index
    %swap3A_52 = arith.constant 0 : index
    %swap3A_53 = vector.load %arg6[%swap3A_50, %swap3A_51, %swap3A_52] : memref<1x1x512xf32, #tpu.memory_space<vmem>>, vector<1x1x512xf32>
    %swap3A_54 = vector.shape_cast %swap3A_53 : vector<1x1x512xf32> to vector<512xf32>
    %swap3A_55 = vector.shape_cast %select_n3A_44 : vector<512xf32> to vector<1x1x512xf32>
    tpu.vector_store %arg6[%swap3A_50, %swap3A_51, %swap3A_52], %swap3A_55 {strides = array<i32>} : memref<1x1x512xf32, #tpu.memory_space<vmem>>, vector<1x1x512xf32>,
    return
  }
  func.func @transform_0(%arg0: i32) -> (i32, i32) {
    %c0_i32 = arith.constant 0 : i32
    %c0_i32_0 = arith.constant 0 : i32
    return %arg0, %c0_i32 : i32, i32
  }
  func.func @transform_1(%arg0: i32) -> (i32, i32) {
    %c0_i32 = arith.constant 0 : i32
    %c0_i32_0 = arith.constant 0 : i32
    return %arg0, %c0_i32 : i32, i32
  }
  func.func @transform_2(%arg0: i32) -> (i32, i32) {
    %c0_i32 = arith.constant 0 : i32
    %c0_i32_0 = arith.constant 0 : i32
    %c0_i32_1 = arith.constant 0 : i32
    return %c0_i32, %c0_i32_0 : i32, i32
  }
  func.func @transform_3(%arg0: i32) -> (i32, i32) {
    %c0_i32 = arith.constant 0 : i32
    %c0_i32_0 = arith.constant 0 : i32
    %c0_i32_1 = arith.constant 0 : i32
    return %c0_i32, %c0_i32_0 : i32, i32
  }
  func.func @transform_4(%arg0: i32) -> (i32, i32, i32) {
    %c0_i32 = arith.constant 0 : i32
    %c0_i32_0 = arith.constant 0 : i32
    %c0_i32_1 = arith.constant 0 : i32
    return %arg0, %c0_i32, %c0_i32_0 : i32, i32, i32
  }
  func.func @transform_5(%arg0: i32) -> (i32, i32, i32) {
    %c0_i32 = arith.constant 0 : i32
    %c0_i32_0 = arith.constant 0 : i32
    %c0_i32_1 = arith.constant 0 : i32
    return %arg0, %c0_i32, %c0_i32_0 : i32, i32, i32
  }
}

</mosaic_0001>

<sc_bundles>
// kernel: kernel.6.cloned.1.call-start
scs
__scs_entry_jumppad:
0x0: {  	(pc) =	sbr.rel $0x88, $3  }
0x1: {  	(tag) =	ssettag $0x0;
	lr =	simm.s32 $0x1  }
0x2: {  	[smem:$0x3F9F] =	sst lr;
	_ =	strace $0xD0000000  }
0x3: {  	_ = 	snop  }
0x4: {  	_ = 	snop  }
0x5: {  	_ = 	snop  }
0x6: {  	_ = 	snop  }
0x7: {  	_ = 	snop  }
__scs_overlays_trampoline_lowered:
0x8: {  	[smem:$0x3FAE] =	sst s0  }
0x9: {  	[smem:$0x3FAF] =	sst s1  }
0xa: {  	[smem:$0x3FB0] =	sst s2  }
0xb: {  	[smem:$0x3FB1] =	sst s3  }
0xc: {  	[smem:$0x3FB2] =	sst s4  }
0xd: {  	[smem:$0x3FB3] =	sst s5  }
0xe: {  	[smem:$0x3FB4] =	sst s6  }
0xf: {  	[smem:$0x3FB5] =	sst s7  }
0x10: {  	[smem:$0x3FB6] =	sst s8  }
0x11: {  	[smem:$0x3FB7] =	sst s9;
	s0 =	simm.s32 @!p0 $0x0  }
0x12: {  	s1 =	sld [smem:$0x3F9D];
	s0 =	simm.s32 @p0 $0x1  }
0x13: {  	[smem:$0x3FB8] =	sst s0;
	s0 =	simm.s32 @!p1 $0x0  }
0x14: {  	s2 =	sld [smem:$0x3F9C];
	s0 =	simm.s32 @p1 $0x1  }
0x15: {  	[smem:$0x3FB9] =	sst s0;
	s0 =	simm.s32 @!p2 $0x0  }
0x16: {  	s3 =	sld [smem:$0x3FDB];
	s0 =	simm.s32 @p2 $0x1  }
0x17: {  	s4 =	simm.s32 $0x1BF5;
	[smem:$0x3FBB] =	sst s0  }
0x18: {  	s0 =	sld [smem:$0x3F9E];
	_ =	swait.ge [sflag:s4], $0x0  }
0x19: {  	s7 =	sld [smem:$0x3F9F]  }
0x1a: {  	s8 =	sadd.s32 $0xFFFFE003, lr  }
0x1b: {  	s9 =	sadd.s32 $0xFFFFFEF7, lr;
	s5 =	simm.s32 $0xFFFFFFFF;
	p2 =	slt.u32 s8, $0xFFFFF086  }
0x1c: {  	p1 =	slt.u32 s9, $0xF7A;
	s5 =	simm.s32 @!p2 $0x0  }
0x1d: {  	s5 =	simm.s32 @p1 $0x1;
	p0 =	seq.s32 s7, s2  }
0x1e: {  	s7 =	smul.u32 @!p0 $0xF7A, s2;
	p2 =	seq.s32 @!p0 s5, $0x0  }
0x1f: {  	s9 =	smul.u32 $0xF7A, s1;
	s8 =	simm.s32 @!p0 $0x1BF5;
	p2 =	por !p2, p0  }
0x20: {  	[sflag:s8] =	ssyncset.s32 @!p0 $0xFFFFF086;
	s6 =	sadd.s32 @!p0 s3, s7;
	s7 =	simm.s32 @!p0 $0x108  }
0x21: {  	s3 =	sadd.s32 s3, s9;
	s6 =	sadd.s32 @!p0 $0x88, s6;
	s7 =	simm.s32 @p2 $0x1082  }
0x22: {  	[simem:s7], [sflag:s8] =	dma.local @!p0 [hbm:s6], $0xF7A  }
0x23: {  	s9 =	sor.u32 $0xD0000000, s2;
	s6 =	simm.s32 $0x108;
	_ =	swait.ge @!p0 [sflag:s8], $0x0  }
0x24: {  	s3 =	sadd.s32 $0x88, s3;
	s6 =	simm.s32 @!p1 $0x1082;
	[sflag:s4] =	ssyncset.s32 $0xFFFFF086  }
0x25: {  	[simem:s6], [sflag:s4] =	dma.local [hbm:s3], $0xF7A  }
0x26: {  	[smem:$0x3F9F] =	sst s1;
	(tag) =	ssettag s2;
	_ =	strace s9  }
0x27: {  	s1 =	sld [smem:$0x3FAF]  }
0x28: {  	s2 =	sld [smem:$0x3FB0]  }
0x29: {  	s4 =	sld [smem:$0x3FB2]  }
0x2a: {  	p0 =	seq.s32 s5, $0x0;
	s5 =	sld [smem:$0x3FB3]  }
0x2b: {  	s6 =	sld [smem:$0x3FB4]  }
0x2c: {  	s7 =	sld [smem:$0x3FB5]  }
0x2d: {  	s3 =	simm.s32 $0x108;
	s8 =	sld [smem:$0x3FB6]  }
0x2e: {  	s3 =	simm.s32 @!p0 $0x1082;
	s9 =	sld [smem:$0x3FB7]  }
0x2f: {  	lr =	sadd.s32 s0, s3;
	s0 =	sld [smem:$0x3FAE]  }
0x30: {  	s3 =	sld [smem:$0x3FB1]  }
0x31: {  	[smem:$0x3FBA] =	sst s10  }
0x32: {  	s10 =	sld [smem:$0x3FB8];
	_ =	sdelay $0x3  }
0x33: {  	p0 =	seq.s32 s10, $0x1;
	s10 =	sld [smem:$0x3FBA];
	_ =	sdelay $0x3  }
0x34: {  	[smem:$0x3FBA] =	sst s10  }
0x35: {  	s10 =	sld [smem:$0x3FB9];
	_ =	sdelay $0x3  }
0x36: {  	p1 =	seq.s32 s10, $0x1;
	s10 =	sld [smem:$0x3FBA];
	_ =	sdelay $0x3  }
0x37: {  	[smem:$0x3FBA] =	sst s10  }
0x38: {  	s10 =	sld [smem:$0x3FBB]  }
0x39: {  	_ = 	snop;
	(pc) =	sbr.ind lr, $3  }
0x3a: {  	_ = 	snop  }
0x3b: {  	_ = 	snop  }
0x3c: {  	p2 =	seq.s32 s10, $0x1;
	s10 =	sld [smem:$0x3FBA]  }
0x3d: {  	_ =	shalt  }
0x3e: {  	_ =	shalt  }
0x3f: {  	_ =	shalt  }
0x40: {  	_ =	shalt  }
0x41: {  	_ =	shalt  }
0x42: {  	_ =	shalt  }
0x43: {  	_ =	shalt  }
0x44: {  	_ =	shalt  }
0x45: {  	_ =	shalt  }
0x46: {  	_ =	shalt  }
0x47: {  	_ =	shalt  }
0x48: {  	_ =	shalt  }
0x49: {  	_ =	shalt  }
0x4a: {  	_ =	shalt  }
0x4b: {  	_ =	shalt  }
0x4c: {  	_ =	shalt  }
0x4d: {  	_ =	shalt  }
0x4e: {  	_ =	shalt  }
0x4f: {  	_ =	shalt  }
0x50: {  	_ =	shalt  }
0x51: {  	_ =	shalt  }
0x52: {  	_ =	shalt  }
0x53: {  	_ =	shalt  }
0x54: {  	_ =	shalt  }
0x55: {  	_ =	shalt  }
0x56: {  	_ =	shalt  }
0x57: {  	_ =	shalt  }
0x58: {  	_ =	shalt  }
0x59: {  	_ =	shalt  }
0x5a: {  	_ =	shalt  }
0x5b: {  	_ =	shalt  }
0x5c: {  	_ =	shalt  }
0x5d: {  	_ =	shalt  }
0x5e: {  	_ =	shalt  }
0x5f: {  	_ =	shalt  }
0x60: {  	_ =	shalt  }
0x61: {  	_ =	shalt  }
0x62: {  	_ =	shalt  }
0x63: {  	_ =	shalt  }
0x64: {  	_ =	shalt  }
0x65: {  	_ =	shalt  }
0x66: {  	_ =	shalt  }
0x67: {  	_ =	shalt  }
0x68: {  	_ =	shalt  }
0x69: {  	_ =	shalt  }
0x6a: {  	_ =	shalt  }
0x6b: {  	_ =	shalt  }
0x6c: {  	_ =	shalt  }
0x6d: {  	_ =	shalt  }
0x6e: {  	_ =	shalt  }
0x6f: {  	_ =	shalt  }
0x70: {  	_ =	shalt  }
0x71: {  	_ =	shalt  }
0x72: {  	_ =	shalt  }
0x73: {  	_ =	shalt  }
0x74: {  	_ =	shalt  }
0x75: {  	_ =	shalt  }
0x76: {  	_ =	shalt  }
0x77: {  	_ =	shalt  }
0x78: {  	_ =	shalt  }
0x79: {  	_ =	shalt  }
0x7a: {  	_ =	shalt  }
0x7b: {  	_ =	shalt  }
0x7c: {  	_ =	shalt  }
0x7d: {  	_ =	shalt  }
0x7e: {  	_ =	shalt  }
0x7f: {  	_ =	shalt  }
0x80: {  	_ =	shalt  }
0x81: {  	_ =	shalt  }
0x82: {  	_ =	shalt  }
0x83: {  	_ =	shalt  }
0x84: {  	_ =	shalt  }
0x85: {  	_ =	shalt  }
0x86: {  	_ =	shalt  }
0x87: {  	_ =	shalt  }
.Lfunc_end0:
.L_simem_size_0:
called_computation_lowered:
.L_overlay_start_0:
0x88: {  	s2 =	sld [smem:$0x3FD9]  }
0x89: {  	s3 =	sld [smem:$0x3FFE];
	_ =	sdelay $0x1  }
0x8a: {  	s1 =	srdreg.scid  }
0x8b: {  	s0 =	sand.u32 $0x1, s1  }
0x8c: {  	s17 =	sshll.u32 s0, $0xA;
	s2 =	sadd.s32 s3, s2  }
0x8d: {  	s2 =	sadd.s32 s2, s17  }
0x8e: {  	[smem:$0x3FC6] =	sst s2  }
0x8f: {  	_ = 	snop  }
0x90: {  	(tm) =	ssettm $0x1  }
0x91: {  	s18 =	sld [smem:$0x3FFB];
	_ =	sdelay $0x3  }
0x92: {  	_ =	strace s18  }
0x93: {  	s2 =	sld [smem:$0x3FFC];
	_ =	sdelay $0x3  }
0x94: {  	_ =	strace s2  }
0x95: {  	s2 =	sld [smem:$0x3FFD];
	_ =	sdelay $0x3  }
0x96: {  	_ =	strace s2  }
0x97: {  	_ =	strace $0x8FFFFFFF  }
0x98: {  	s19 =	sld [smem:$0x3FDB];
	_ =	sdelay $0x1  }
0x99: {  	s20 =	simm.s32 $_scs_section_size  }
0x9a: {  	s4 =	simm.s32 $_size__tile_overlayer_lowered;
	s5 =	simm.s32 $_tile_overlayer_lowered  }
0x9b: {  	s6 =	simm.s32 $0x1BFF;
	s21 =	sshll.u32 s5, $0x1;
	s3 =	sadd.s32 s20, s19  }
0x9c: {  	s22 =	simm.s32 $0x0;
	s4 =	sshll.u32 s4, $0x1;
	s5 =	sadd.s32 s21, s3  }
0x9d: {  	[timem:s22], [sflag:s6] =	dma.local [hbm:s5], s4  }
0x9e: {  	_ =	swait.ge [sflag:s6], s4  }
0x9f: {  	s4 =	ssub.s32 $0x0, s4;
	[sflag:s6] =	ssyncset.done $0x0  }
0xa0: {  	[sflag:s6] =	ssyncadd.s32 s4;
	_ =	sdelay $0x1  }
0xa1: {  	s23 =	simm.s32 $0x1B8B  }
0xa2: {  	_ =	swait.ge [sflag:s23], $0x1  }
0xa3: {  	[sflag:s23] =	ssyncset.done $0x0  }
0xa4: {  	[sflag:s23] =	ssyncadd.s32 $0xFFFFFFFF  }
0xa5: {  	s4 =	sld [smem:$0x0]  }
0xa6: {  	s5 =	sand.u32 $0xFFFFFFFE, s1  }
0xa7: {  	p0 =	sne.s32 s1, s5  }
0xa8: {  	s5 =	sshll.u32 @p0 s5, $0xE  }
0xa9: {  	s5 =	sadd.s32 @p0 $0x11B8D, s5;
	s6 =	sshll.u32 @p0 s4, $0x11  }
0xaa: {  	s5 =	sor.u32 @p0 s6, s5  }
0xab: {  	[sflag:s5] =	ssyncadd.remote.s32 @p0 $0x1;
	_ =	sdelay $0x1  }
0xac: {  	s5 =	simm.s32 @p0 $0x1B8D  }
0xad: {  	_ =	swait.eq @p0 [sflag:s5], $0x1  }
0xae: {  	[sflag:s5] =	ssyncadd.s32 @p0 $0xFFFFFFFF  }
0xaf: {  	s6 =	sshll.u32 @!p0 s1, $0xE  }
0xb0: {  	s6 =	sor.u32 @!p0 $0x4000, s6;
	s5 =	simm.s32 @!p0 $0x1B8D  }
0xb1: {  	s4 =	sshll.u32 @!p0 s4, $0x11;
	s6 =	sadd.s32 @!p0 $0x11B8D, s6;
	_ =	swait.eq @!p0 [sflag:s5], $0x1  }
0xb2: {  	s4 =	sor.u32 @!p0 s4, s6;
	[sflag:s5] =	ssyncadd.s32 @!p0 $0xFFFFFFFF  }
0xb3: {  	s25 =	simm.s32 $0x1B8E;
	s24 =	sld [smem:$0x3FFE];
	[sflag:s4] =	ssyncadd.remote.s32 @!p0 $0x1  }
0xb4: {  	s26 =	simm.s32 $execute0_lowered;
	[smem:$0x3FD2] =	sst s25  }
0xb5: {  	s5 =	sshll.u32 s26, $0x1;
	_ =	strace $0x80000050;
	[dreg:$0x1] =	wrdreg $0xFFFFFFFF  }
0xb6: {  	s28 =	simm.s32 $_size_execute0_lowered;
	s3 =	sadd.s32 s3, s5;
	[dreg:$0x0] =	wrdreg $0x0  }
0xb7: {  	s5 =	sshll.u32 s28, $0x1;
	[dreg:$0x2] =	wrdreg s3  }
0xb8: {  	[dreg:$0x3] =	wrdreg s5  }
0xb9: {  	[dreg:$0x4] =	wrdreg $0xC0  }
0xba: {  	_ =	task [dreg:s22], $0x5FFFF  }
0xbb: {  	[dreg:$0x1] =	wrdreg $0xFFFFFFFF  }
0xbc: {  	[dreg:$0x0] =	wrdreg $0x60  }
0xbd: {  	[dreg:$0x2] =	wrdreg s24  }
0xbe: {  	[dreg:$0x3] =	wrdreg $0x9  }
0xbf: {  	_ =	task.clear_ibuf [dreg:s22], $0x4FFFF;
	_ =	strace $0x90000050  }
0xc0: {  	s29 =	simm.s32 $0x9;
	_ =	strace $0x80000059  }
0xc1: {  	_ =	swait.ge [sflag:s29], $0x1  }
0xc2: {  	[sflag:s29] =	ssyncadd.s32 $0xFFFFFFFF  }
0xc3: {  	_ =	strace $0x90000059  }
0xc4: {  	_ =	sfence  }
0xc5: {  	s30 =	sld [smem:$0x0];
	_ =	sdelay $0x2  }
0xc6: {  	s31 =	sshll.u32 s1, $0xD;
	s1 =	sshrl.u32 s1, $0x2  }
0xc7: {  	s4 =	sand.u32 $0x4000, s31;
	s1 =	sadd.s32 s1, s30  }
0xc8: {  	s0 =	sor.u32 s4, s0;
	s1 =	sshll.u32 s1, $0x11  }
0xc9: {  	s0 =	sor.u32 s1, s0  }
0xca: {  	s0 =	sadd.s32 $0x8F2B, s0  }
0xcb: {  	[sflag:s0] =	ssyncadd.remote.s32 $0x1  }
0xcc: {  	_ =	sfence.sel $0xFFFF  }
0xcd: {  	[dreg:$0x0] =	wrdreg $0xFFFFFFFF;
	(pc) =	sbr.abs _section_cstart, $3  }
0xce: {  	[dreg:$0x1] =	wrdreg $0xFFFFFFFF  }
0xcf: {  	_ =	task.clear_ibuf [dreg:s22], $0x2FFFF;
	_ =	strace $0x9FFFFFFF  }
0xd0: {  	(tm) =	ssettm $0x7FFFFFFF  }
0xd1: {  	_ =	shalt  }
tec
execute0_lowered:
.L_overlay_start_1:
0x0: {  	(tag) =	ssettag $0x1  }
0x1: {  	s2 =	rddreg [dreg:$0x0];
	s3 =	simm.s32 $0x0;
	s1 =	stileid.u32  }
0x2: {  	[smem:$0x7FF] =	sst s3;
	s4 =	sshll.u32 s1, $0x6  }
0x3: {  	s0 =	rddreg [dreg:$0x1];
	_ =	strace $0x80000051;
	s16 =	sadd.s32 s4, s2  }
0x4: {  	s4 =	sadd.s32 $0x40000, s16;
	_ =	strace $0x80000052  }
0x5: {  	[tilespmem:s3], [sflag:$0x1] =	stream.linear.gather [hbm4b:s4+s3], $0x80, $0x200038;
	[tilespmem:$0x8100] =	vst v63  }
0x6: {  	_ =	strace $0x90000052  }
0x7: {  	s6 =	simm.s32 $0x80;
	s5 =	sadd.s32 $0x40010, s16;
	_ =	strace $0x80000053  }
0x8: {  	[tilespmem:s6], [sflag:$0x2] =	stream.linear.gather [hbm4b:s5+s3], $0x80, $0x200038;
	[tilespmem:$0x8100] =	vst v63  }
0x9: {  	_ =	strace $0x90000053  }
0xa: {  	s7 =	simm.s32 $0x1;
	_ =	strace $0x80000054  }
0xb: {  	_ =	swait.ge [sflag:s7], $0x80  }
0xc: {  	[sflag:s7] =	ssyncset.done $0x0  }
0xd: {  	[sflag:s7] =	ssyncadd.s32 $0xFFFFFF80  }
0xe: {  	_ =	strace $0x90000054  }
0xf: {  	s8 =	simm.s32 $0x100;
	s9 =	simm.s32 $0x5;
	_ =	strace $0x80000055  }
0x10: {  	[tilespmem:s8], [sflag:$0x5] =	stream.indirect.gather [hbm4b:s2+s6], $0x80, s3, s6, $0x2000b8;
	[tilespmem:$0x8100] =	vst v63  }
0x11: {  	_ =	swait.ge [sflag:s9], $0x4000  }
0x12: {  	[sflag:s9] =	ssyncset.done $0x0  }
0x13: {  	s10 =	sshll.u32 s1, $0xD;
	[sflag:s9] =	ssyncadd.s32 $0xFFFFC000  }
0x14: {  	s19 =	sadd.s32 s10, s2;
	_ =	strace $0x90000055  }
0x15: {  	s10 =	sadd.s32 $0x40400, s19;
	_ =	strace $0x80000056  }
0x16: {  	[hbm4b:s10+s3] =	stream.linear.scatter [tilespmem:s8], [sflag:$0x3], $0x4000, $0x200038;
	[tilespmem:$0x8100] =	vst v63  }
0x17: {  	_ =	strace $0x90000056  }
0x18: {  	s11 =	sadd.s32 $0x40020, s16;
	_ =	strace $0x80000053  }
0x19: {  	[tilespmem:s3], [sflag:$0x1] =	stream.linear.gather [hbm4b:s11+s3], $0x80, $0x200038;
	[tilespmem:$0x8100] =	vst v63  }
0x1a: {  	_ =	strace $0x90000053  }
0x1b: {  	s12 =	simm.s32 $0x2;
	_ =	strace $0x80000054  }
0x1c: {  	_ =	swait.ge [sflag:s12], $0x80  }
0x1d: {  	[sflag:s12] =	ssyncset.done $0x0  }
0x1e: {  	[sflag:s12] =	ssyncadd.s32 $0xFFFFFF80  }
0x1f: {  	_ =	strace $0x90000054  }
0x20: {  	s13 =	simm.s32 $0x4100;
	_ =	strace $0x80000055  }
0x21: {  	[tilespmem:s13], [sflag:$0x5] =	stream.indirect.gather [hbm4b:s2+s6], $0x80, s6, s6, $0x2000b8;
	[tilespmem:$0x8100] =	vst v63  }
0x22: {  	_ =	swait.ge [sflag:s9], $0x4000  }
0x23: {  	[sflag:s9] =	ssyncset.done $0x0  }
0x24: {  	[sflag:s9] =	ssyncadd.s32 $0xFFFFC000  }
0x25: {  	_ =	strace $0x90000055  }
0x26: {  	s14 =	sadd.s32 $0x40C00, s19;
	_ =	strace $0x80000056  }
0x27: {  	[hbm4b:s14+s3] =	stream.linear.scatter [tilespmem:s13], [sflag:$0x4], $0x4000, $0x200038;
	[tilespmem:$0x8100] =	vst v63  }
0x28: {  	_ =	strace $0x90000056  }
0x29: {  	s15 =	simm.s32 $0x3;
	_ =	strace $0x80000057  }
0x2a: {  	_ =	swait.ge [sflag:s15], $0x4000  }
0x2b: {  	[sflag:s15] =	ssyncset.done $0x0  }
0x2c: {  	[sflag:s15] =	ssyncadd.s32 $0xFFFFC000  }
0x2d: {  	_ =	strace $0x90000057  }
0x2e: {  	s16 =	sadd.s32 $0x40030, s16;
	_ =	strace $0x80000053  }
0x2f: {  	[tilespmem:s6], [sflag:$0x2] =	stream.linear.gather [hbm4b:s16+s3], $0x80, $0x200038;
	[tilespmem:$0x8100] =	vst v63  }
0x30: {  	_ =	strace $0x90000053  }
0x31: {  	_ =	strace $0x80000054  }
0x32: {  	_ =	swait.ge [sflag:s7], $0x80  }
0x33: {  	[sflag:s7] =	ssyncset.done $0x0  }
0x34: {  	[sflag:s7] =	ssyncadd.s32 $0xFFFFFF80  }
0x35: {  	_ =	strace $0x90000054  }
0x36: {  	_ =	strace $0x80000055  }
0x37: {  	[tilespmem:s8], [sflag:$0x5] =	stream.indirect.gather [hbm4b:s2+s6], $0x80, s3, s6, $0x2000b8;
	[tilespmem:$0x8100] =	vst v63  }
0x38: {  	_ =	swait.ge [sflag:s9], $0x4000  }
0x39: {  	[sflag:s9] =	ssyncset.done $0x0  }
0x3a: {  	[sflag:s9] =	ssyncadd.s32 $0xFFFFC000  }
0x3b: {  	_ =	strace $0x90000055  }
0x3c: {  	s17 =	sadd.s32 $0x41400, s19;
	_ =	strace $0x80000056  }
0x3d: {  	[hbm4b:s17+s3] =	stream.linear.scatter [tilespmem:s8], [sflag:$0x3], $0x4000, $0x200038;
	[tilespmem:$0x8100] =	vst v63  }
0x3e: {  	_ =	strace $0x90000056  }
0x3f: {  	s18 =	simm.s32 $0x4;
	_ =	strace $0x80000057  }
0x40: {  	_ =	swait.ge [sflag:s18], $0x4000  }
0x41: {  	[sflag:s18] =	ssyncset.done $0x0  }
0x42: {  	[sflag:s18] =	ssyncadd.s32 $0xFFFFC000  }
0x43: {  	_ =	strace $0x90000057  }
0x44: {  	_ =	strace $0x80000054  }
0x45: {  	_ =	swait.ge [sflag:s12], $0x80  }
0x46: {  	[sflag:s12] =	ssyncset.done $0x0  }
0x47: {  	[sflag:s12] =	ssyncadd.s32 $0xFFFFFF80  }
0x48: {  	_ =	strace $0x90000054  }
0x49: {  	_ =	strace $0x80000055  }
0x4a: {  	[tilespmem:s13], [sflag:$0x5] =	stream.indirect.gather [hbm4b:s2+s6], $0x80, s6, s6, $0x2000b8;
	[tilespmem:$0x8100] =	vst v63  }
0x4b: {  	_ =	swait.ge [sflag:s9], $0x4000  }
0x4c: {  	[sflag:s9] =	ssyncset.done $0x0  }
0x4d: {  	[sflag:s9] =	ssyncadd.s32 $0xFFFFC000  }
0x4e: {  	s20 =	srdreg.scid;
	_ =	strace $0x90000055  }
0x4f: {  	s20 =	sand.u32 $0x1, s20;
	s19 =	sadd.s32 $0x41C00, s19;
	_ =	strace $0x80000056  }
0x50: {  	[hbm4b:s19+s3] =	stream.linear.scatter [tilespmem:s13], [sflag:$0x4], $0x4000, $0x200038;
	[tilespmem:$0x8100] =	vst v63  }
0x51: {  	s20 =	ssub.s32 $0x2, s20;
	_ =	strace $0x90000056  }
0x52: {  	s21 =	sshrl.u32 s20, $0x1;
	_ =	strace $0x80000057  }
0x53: {  	s20 =	ssub.s32 s20, s21;
	_ =	swait.ge [sflag:s15], $0x4000  }
0x54: {  	s20 =	smax.u32 s20, $0x1;
	[sflag:s15] =	ssyncset.done $0x0  }
0x55: {  	p0 =	sne.s32 s20, $0x1;
	[sflag:s15] =	ssyncadd.s32 $0xFFFFC000  }
.Ltmp0:
0x56: {  	_ =	strace $0x90000057;
	(pc) =	sbr.rel @!p0 .LBB2_2-.Ltmp0, $4  }
0x57: {  	_ =	strace $0x80000058  }
0x58: {  	_ =	swait.ge [sflag:s18], $0x4000  }
0x59: {  	[sflag:s18] =	ssyncset.done $0x0  }
0x5a: {  	s20 =	sadd.s32 $0xFFFFFFFF, s20;
	[sflag:s18] =	ssyncadd.s32 $0xFFFFC000  }
.LBB2_1:
0x5b: {  	p0 =	sne.s32 s20, $0x1;
	s20 =	sadd.s32 $0xFFFFFFFF, s20;
	_ =	strace $0x90000058  }
0x5c: {  	_ =	strace $0x80000052  }
0x5d: {  	[tilespmem:s3], [sflag:$0x1] =	stream.linear.gather [hbm4b:s4+s3], $0x80, $0x200038;
	[tilespmem:$0x8100] =	vst v63  }
0x5e: {  	_ =	strace $0x90000052  }
0x5f: {  	_ =	strace $0x80000053  }
0x60: {  	[tilespmem:s6], [sflag:$0x2] =	stream.linear.gather [hbm4b:s5+s3], $0x80, $0x200038;
	[tilespmem:$0x8100] =	vst v63  }
0x61: {  	_ =	strace $0x90000053  }
0x62: {  	_ =	strace $0x80000054  }
0x63: {  	_ =	swait.ge [sflag:s7], $0x80  }
0x64: {  	[sflag:s7] =	ssyncset.done $0x0  }
0x65: {  	[sflag:s7] =	ssyncadd.s32 $0xFFFFFF80  }
0x66: {  	_ =	strace $0x90000054  }
0x67: {  	_ =	strace $0x80000055  }
0x68: {  	[tilespmem:s8], [sflag:$0x5] =	stream.indirect.gather [hbm4b:s2+s6], $0x80, s3, s6, $0x2000b8;
	[tilespmem:$0x8100] =	vst v63  }
0x69: {  	_ =	swait.ge [sflag:s9], $0x4000  }
0x6a: {  	[sflag:s9] =	ssyncset.done $0x0  }
0x6b: {  	[sflag:s9] =	ssyncadd.s32 $0xFFFFC000  }
0x6c: {  	_ =	strace $0x90000055  }
0x6d: {  	_ =	strace $0x80000056  }
0x6e: {  	[hbm4b:s10+s3] =	stream.linear.scatter [tilespmem:s8], [sflag:$0x3], $0x4000, $0x200038;
	[tilespmem:$0x8100] =	vst v63  }
0x6f: {  	_ =	strace $0x90000056  }
0x70: {  	_ =	strace $0x80000053  }
0x71: {  	[tilespmem:s3], [sflag:$0x1] =	stream.linear.gather [hbm4b:s11+s3], $0x80, $0x200038;
	[tilespmem:$0x8100] =	vst v63  }
0x72: {  	_ =	strace $0x90000053  }
0x73: {  	_ =	strace $0x80000054  }
0x74: {  	_ =	swait.ge [sflag:s12], $0x80  }
0x75: {  	[sflag:s12] =	ssyncset.done $0x0  }
0x76: {  	[sflag:s12] =	ssyncadd.s32 $0xFFFFFF80  }
0x77: {  	_ =	strace $0x90000054  }
0x78: {  	_ =	strace $0x80000055  }
0x79: {  	[tilespmem:s13], [sflag:$0x5] =	stream.indirect.gather [hbm4b:s2+s6], $0x80, s6, s6, $0x2000b8;
	[tilespmem:$0x8100] =	vst v63  }
0x7a: {  	_ =	swait.ge [sflag:s9], $0x4000  }
0x7b: {  	[sflag:s9] =	ssyncset.done $0x0  }
0x7c: {  	[sflag:s9] =	ssyncadd.s32 $0xFFFFC000  }
0x7d: {  	_ =	strace $0x90000055  }
0x7e: {  	_ =	strace $0x80000056  }
0x7f: {  	[hbm4b:s14+s3] =	stream.linear.scatter [tilespmem:s13], [sflag:$0x4], $0x4000, $0x200038;
	[tilespmem:$0x8100] =	vst v63  }
0x80: {  	_ =	strace $0x90000056  }
0x81: {  	_ =	strace $0x80000057  }
0x82: {  	_ =	swait.ge [sflag:s15], $0x4000  }
0x83: {  	[sflag:s15] =	ssyncset.done $0x0  }
0x84: {  	[sflag:s15] =	ssyncadd.s32 $0xFFFFC000  }
0x85: {  	_ =	strace $0x90000057  }
0x86: {  	_ =	strace $0x80000053  }
0x87: {  	[tilespmem:s6], [sflag:$0x2] =	stream.linear.gather [hbm4b:s16+s3], $0x80, $0x200038;
	[tilespmem:$0x8100] =	vst v63  }
0x88: {  	_ =	strace $0x90000053  }
0x89: {  	_ =	strace $0x80000054  }
0x8a: {  	_ =	swait.ge [sflag:s7], $0x80  }
0x8b: {  	[sflag:s7] =	ssyncset.done $0x0  }
0x8c: {  	[sflag:s7] =	ssyncadd.s32 $0xFFFFFF80  }
0x8d: {  	_ =	strace $0x90000054  }
0x8e: {  	_ =	strace $0x80000055  }
0x8f: {  	[tilespmem:s8], [sflag:$0x5] =	stream.indirect.gather [hbm4b:s2+s6], $0x80, s3, s6, $0x2000b8;
	[tilespmem:$0x8100] =	vst v63  }
0x90: {  	_ =	swait.ge [sflag:s9], $0x4000  }
0x91: {  	[sflag:s9] =	ssyncset.done $0x0  }
0x92: {  	[sflag:s9] =	ssyncadd.s32 $0xFFFFC000  }
0x93: {  	_ =	strace $0x90000055  }
0x94: {  	_ =	strace $0x80000056  }
0x95: {  	[hbm4b:s17+s3] =	stream.linear.scatter [tilespmem:s8], [sflag:$0x3], $0x4000, $0x200038;
	[tilespmem:$0x8100] =	vst v63  }
0x96: {  	_ =	strace $0x90000056  }
0x97: {  	_ =	strace $0x80000057  }
0x98: {  	_ =	swait.ge [sflag:s18], $0x4000  }
0x99: {  	[sflag:s18] =	ssyncset.done $0x0  }
0x9a: {  	[sflag:s18] =	ssyncadd.s32 $0xFFFFC000  }
0x9b: {  	_ =	strace $0x90000057  }
0x9c: {  	_ =	strace $0x80000054  }
0x9d: {  	_ =	swait.ge [sflag:s12], $0x80  }
0x9e: {  	[sflag:s12] =	ssyncset.done $0x0  }
0x9f: {  	[sflag:s12] =	ssyncadd.s32 $0xFFFFFF80  }
0xa0: {  	_ =	strace $0x90000054  }
0xa1: {  	_ =	strace $0x80000055  }
0xa2: {  	[tilespmem:s13], [sflag:$0x5] =	stream.indirect.gather [hbm4b:s2+s6], $0x80, s6, s6, $0x2000b8;
	[tilespmem:$0x8100] =	vst v63  }
0xa3: {  	_ =	swait.ge [sflag:s9], $0x4000  }
0xa4: {  	[sflag:s9] =	ssyncset.done $0x0  }
0xa5: {  	[sflag:s9] =	ssyncadd.s32 $0xFFFFC000  }
0xa6: {  	_ =	strace $0x90000055  }
0xa7: {  	_ =	strace $0x80000056  }
0xa8: {  	[hbm4b:s19+s3] =	stream.linear.scatter [tilespmem:s13], [sflag:$0x4], $0x4000, $0x200038;
	[tilespmem:$0x8100] =	vst v63  }
0xa9: {  	_ =	strace $0x90000056  }
0xaa: {  	_ =	strace $0x80000057  }
0xab: {  	_ =	swait.ge [sflag:s15], $0x4000  }
0xac: {  	[sflag:s15] =	ssyncset.done $0x0  }
0xad: {  	[sflag:s15] =	ssyncadd.s32 $0xFFFFC000  }
.Ltmp1:
0xae: {  	_ =	strace $0x90000057;
	(pc) =	sbr.rel @p0 .LBB2_1-.Ltmp1, $4  }
0xaf: {  	_ =	strace $0x80000058  }
0xb0: {  	_ =	swait.ge [sflag:s18], $0x4000  }
0xb1: {  	[sflag:s18] =	ssyncset.done $0x0  }
0xb2: {  	[sflag:s18] =	ssyncadd.s32 $0xFFFFC000  }
.LBB2_2:
0xb3: {  	_ =	strace $0x90000058  }
0xb4: {  	_ =	sfence.sel $0x180000  }
0xb5: {  	[bflag:$0x0] =	sbarrier.arrive $0xFFFF  }
0xb6: {  	p0 =	sne.s32 s1, $0x0;
	_ =	strace $0x90000051  }
0xb7: {  	s0 =	sadd.s32 @!p0 $0x100000, s0;
	[bflag:$0x2] =	sbarrier.arrive $0xFFFF  }
0xb8: {  	[sflag:s0] =	ssyncadd.tile.s32 @!p0 $0x1;
	_ =	shalt  }
.Lfunc_end2:
_tile_overlayer_lowered:
.L_overlay_start_2:
0xb9: {  	(tag) =	ssettag $0x2  }
0xba: {  	s0 =	rddreg [dreg:$0x0];
	s2 =	stileid.u32  }
0xbb: {  	s1 =	rddreg [dreg:$0x1];
	p0 =	sne.s32 s2, $0x0  }
0xbc: {  	s3 =	rddreg [dreg:$0x2];
	[bflag:$0x3] =	sbarrier.arrive $0xFFFF;
	s2 =	simm.s32 @!p0 $0x1C01  }
0xbd: {  	[timem:s3], [sflag:s2] =	dma.local @!p0 [hbm:s0], s1  }
0xbe: {  	s0 =	simm.s32 @!p0 $0x1  }
0xbf: {  	_ =	swait.ge @!p0 [sflag:s0], s1  }
0xc0: {  	s1 =	ssub.s32 @!p0 $0x0, s1;
	[sflag:s0] =	ssyncset.done @!p0 $0x0  }
0xc1: {  	[sflag:s0] =	ssyncadd.s32 @!p0 s1  }
0xc2: {  	[bflag:$0x3] =	sbarrier.arrive $0xFFFF  }
0xc3: {  	_ =	shalt  }

// kernel: kernel.9.cloned.1.call-start
scs
__scs_entry_jumppad:
0x0: {  	(pc) =	sbr.rel $0x88, $3  }
0x1: {  	(tag) =	ssettag $0x0;
	lr =	simm.s32 $0x1  }
0x2: {  	[smem:$0x3F9F] =	sst lr;
	_ =	strace $0xD0000000  }
0x3: {  	_ = 	snop  }
0x4: {  	_ = 	snop  }
0x5: {  	_ = 	snop  }
0x6: {  	_ = 	snop  }
0x7: {  	_ = 	snop  }
__scs_overlays_trampoline_lowered:
0x8: {  	[smem:$0x3FAE] =	sst s0  }
0x9: {  	[smem:$0x3FAF] =	sst s1  }
0xa: {  	[smem:$0x3FB0] =	sst s2  }
0xb: {  	[smem:$0x3FB1] =	sst s3  }
0xc: {  	[smem:$0x3FB2] =	sst s4  }
0xd: {  	[smem:$0x3FB3] =	sst s5  }
0xe: {  	[smem:$0x3FB4] =	sst s6  }
0xf: {  	[smem:$0x3FB5] =	sst s7  }
0x10: {  	[smem:$0x3FB6] =	sst s8  }
0x11: {  	[smem:$0x3FB7] =	sst s9;
	s0 =	simm.s32 @!p0 $0x0  }
0x12: {  	s1 =	sld [smem:$0x3F9D];
	s0 =	simm.s32 @p0 $0x1  }
0x13: {  	[smem:$0x3FB8] =	sst s0;
	s0 =	simm.s32 @!p1 $0x0  }
0x14: {  	s2 =	sld [smem:$0x3F9C];
	s0 =	simm.s32 @p1 $0x1  }
0x15: {  	[smem:$0x3FB9] =	sst s0;
	s0 =	simm.s32 @!p2 $0x0  }
0x16: {  	s3 =	sld [smem:$0x3FDB];
	s0 =	simm.s32 @p2 $0x1  }
0x17: {  	s4 =	simm.s32 $0x1BF5;
	[smem:$0x3FBB] =	sst s0  }
0x18: {  	s0 =	sld [smem:$0x3F9E];
	_ =	swait.ge [sflag:s4], $0x0  }
0x19: {  	s7 =	sld [smem:$0x3F9F]  }
0x1a: {  	s8 =	sadd.s32 $0xFFFFE003, lr  }
0x1b: {  	s9 =	sadd.s32 $0xFFFFFEF7, lr;
	s5 =	simm.s32 $0xFFFFFFFF;
	p2 =	slt.u32 s8, $0xFFFFF086  }
0x1c: {  	p1 =	slt.u32 s9, $0xF7A;
	s5 =	simm.s32 @!p2 $0x0  }
0x1d: {  	s5 =	simm.s32 @p1 $0x1;
	p0 =	seq.s32 s7, s2  }
0x1e: {  	s7 =	smul.u32 @!p0 $0xF7A, s2;
	p2 =	seq.s32 @!p0 s5, $0x0  }
0x1f: {  	s9 =	smul.u32 $0xF7A, s1;
	s8 =	simm.s32 @!p0 $0x1BF5;
	p2 =	por !p2, p0  }
0x20: {  	[sflag:s8] =	ssyncset.s32 @!p0 $0xFFFFF086;
	s6 =	sadd.s32 @!p0 s3, s7;
	s7 =	simm.s32 @!p0 $0x108  }
0x21: {  	s3 =	sadd.s32 s3, s9;
	s6 =	sadd.s32 @!p0 $0x88, s6;
	s7 =	simm.s32 @p2 $0x1082  }
0x22: {  	[simem:s7], [sflag:s8] =	dma.local @!p0 [hbm:s6], $0xF7A  }
0x23: {  	s9 =	sor.u32 $0xD0000000, s2;
	s6 =	simm.s32 $0x108;
	_ =	swait.ge @!p0 [sflag:s8], $0x0  }
0x24: {  	s3 =	sadd.s32 $0x88, s3;
	s6 =	simm.s32 @!p1 $0x1082;
	[sflag:s4] =	ssyncset.s32 $0xFFFFF086  }
0x25: {  	[simem:s6], [sflag:s4] =	dma.local [hbm:s3], $0xF7A  }
0x26: {  	[smem:$0x3F9F] =	sst s1;
	(tag) =	ssettag s2;
	_ =	strace s9  }
0x27: {  	s1 =	sld [smem:$0x3FAF]  }
0x28: {  	s2 =	sld [smem:$0x3FB0]  }
0x29: {  	s4 =	sld [smem:$0x3FB2]  }
0x2a: {  	p0 =	seq.s32 s5, $0x0;
	s5 =	sld [smem:$0x3FB3]  }
0x2b: {  	s6 =	sld [smem:$0x3FB4]  }
0x2c: {  	s7 =	sld [smem:$0x3FB5]  }
0x2d: {  	s3 =	simm.s32 $0x108;
	s8 =	sld [smem:$0x3FB6]  }
0x2e: {  	s3 =	simm.s32 @!p0 $0x1082;
	s9 =	sld [smem:$0x3FB7]  }
0x2f: {  	lr =	sadd.s32 s0, s3;
	s0 =	sld [smem:$0x3FAE]  }
0x30: {  	s3 =	sld [smem:$0x3FB1]  }
0x31: {  	[smem:$0x3FBA] =	sst s10  }
0x32: {  	s10 =	sld [smem:$0x3FB8];
	_ =	sdelay $0x3  }
0x33: {  	p0 =	seq.s32 s10, $0x1;
	s10 =	sld [smem:$0x3FBA];
	_ =	sdelay $0x3  }
0x34: {  	[smem:$0x3FBA] =	sst s10  }
0x35: {  	s10 =	sld [smem:$0x3FB9];
	_ =	sdelay $0x3  }
0x36: {  	p1 =	seq.s32 s10, $0x1;
	s10 =	sld [smem:$0x3FBA];
	_ =	sdelay $0x3  }
0x37: {  	[smem:$0x3FBA] =	sst s10  }
0x38: {  	s10 =	sld [smem:$0x3FBB]  }
0x39: {  	_ = 	snop;
	(pc) =	sbr.ind lr, $3  }
0x3a: {  	_ = 	snop  }
0x3b: {  	_ = 	snop  }
0x3c: {  	p2 =	seq.s32 s10, $0x1;
	s10 =	sld [smem:$0x3FBA]  }
0x3d: {  	_ =	shalt  }
0x3e: {  	_ =	shalt  }
0x3f: {  	_ =	shalt  }
0x40: {  	_ =	shalt  }
0x41: {  	_ =	shalt  }
0x42: {  	_ =	shalt  }
0x43: {  	_ =	shalt  }
0x44: {  	_ =	shalt  }
0x45: {  	_ =	shalt  }
0x46: {  	_ =	shalt  }
0x47: {  	_ =	shalt  }
0x48: {  	_ =	shalt  }
0x49: {  	_ =	shalt  }
0x4a: {  	_ =	shalt  }
0x4b: {  	_ =	shalt  }
0x4c: {  	_ =	shalt  }
0x4d: {  	_ =	shalt  }
0x4e: {  	_ =	shalt  }
0x4f: {  	_ =	shalt  }
0x50: {  	_ =	shalt  }
0x51: {  	_ =	shalt  }
0x52: {  	_ =	shalt  }
0x53: {  	_ =	shalt  }
0x54: {  	_ =	shalt  }
0x55: {  	_ =	shalt  }
0x56: {  	_ =	shalt  }
0x57: {  	_ =	shalt  }
0x58: {  	_ =	shalt  }
0x59: {  	_ =	shalt  }
0x5a: {  	_ =	shalt  }
0x5b: {  	_ =	shalt  }
0x5c: {  	_ =	shalt  }
0x5d: {  	_ =	shalt  }
0x5e: {  	_ =	shalt  }
0x5f: {  	_ =	shalt  }
0x60: {  	_ =	shalt  }
0x61: {  	_ =	shalt  }
0x62: {  	_ =	shalt  }
0x63: {  	_ =	shalt  }
0x64: {  	_ =	shalt  }
0x65: {  	_ =	shalt  }
0x66: {  	_ =	shalt  }
0x67: {  	_ =	shalt  }
0x68: {  	_ =	shalt  }
0x69: {  	_ =	shalt  }
0x6a: {  	_ =	shalt  }
0x6b: {  	_ =	shalt  }
0x6c: {  	_ =	shalt  }
0x6d: {  	_ =	shalt  }
0x6e: {  	_ =	shalt  }
0x6f: {  	_ =	shalt  }
0x70: {  	_ =	shalt  }
0x71: {  	_ =	shalt  }
0x72: {  	_ =	shalt  }
0x73: {  	_ =	shalt  }
0x74: {  	_ =	shalt  }
0x75: {  	_ =	shalt  }
0x76: {  	_ =	shalt  }
0x77: {  	_ =	shalt  }
0x78: {  	_ =	shalt  }
0x79: {  	_ =	shalt  }
0x7a: {  	_ =	shalt  }
0x7b: {  	_ =	shalt  }
0x7c: {  	_ =	shalt  }
0x7d: {  	_ =	shalt  }
0x7e: {  	_ =	shalt  }
0x7f: {  	_ =	shalt  }
0x80: {  	_ =	shalt  }
0x81: {  	_ =	shalt  }
0x82: {  	_ =	shalt  }
0x83: {  	_ =	shalt  }
0x84: {  	_ =	shalt  }
0x85: {  	_ =	shalt  }
0x86: {  	_ =	shalt  }
0x87: {  	_ =	shalt  }
.Lfunc_end0:
.L_simem_size_0:
called_computation.1_lowered:
.L_overlay_start_0:
0x88: {  	s2 =	sld [smem:$0x3FD9]  }
0x89: {  	s3 =	sld [smem:$0x3FFE];
	_ =	sdelay $0x1  }
0x8a: {  	s1 =	srdreg.scid  }
0x8b: {  	s0 =	sand.u32 $0x1, s1  }
0x8c: {  	s14 =	sshll.u32 s0, $0xA;
	s2 =	sadd.s32 s3, s2  }
0x8d: {  	s2 =	sadd.s32 s2, s14  }
0x8e: {  	[smem:$0x3FC6] =	sst s2  }
0x8f: {  	_ = 	snop  }
0x90: {  	s2 =	sld [smem:$0x3FD0];
	_ =	sdelay $0x2  }
0x91: {  	s15 =	simm.s32 $0xB;
	s4 =	simm.s32 $0x10  }
0x92: {  	[smem:s4], [sflag:s15] =	dma.local [hbm:s2], $0x1  }
0x93: {  	_ =	swait.eq [sflag:s15], $0x1  }
0x94: {  	[sflag:s15] =	ssyncset.done $0x0  }
0x95: {  	[sflag:s15] =	ssyncadd.s32 $0xFFFFFFFF  }
0x96: {  	s16 =	sld [smem:$0x10];
	(tm) =	ssettm $0x1  }
0x97: {  	s17 =	sld [smem:$0x3FFB];
	_ =	sdelay $0x3  }
0x98: {  	_ =	strace s17  }
0x99: {  	s3 =	sld [smem:$0x3FFC];
	_ =	sdelay $0x3  }
0x9a: {  	_ =	strace s3  }
0x9b: {  	s3 =	sld [smem:$0x3FFD];
	_ =	sdelay $0x3  }
0x9c: {  	_ =	strace s3  }
0x9d: {  	_ =	strace $0x8FFFFFFF  }
0x9e: {  	s18 =	sld [smem:$0x3FDB];
	_ =	sdelay $0x1  }
0x9f: {  	s19 =	simm.s32 $_scs_section_size  }
0xa0: {  	s5 =	simm.s32 $_size__tile_overlayer_lowered;
	s6 =	simm.s32 $_tile_overlayer_lowered  }
0xa1: {  	s22 =	simm.s32 $0x1BFF;
	s21 =	sshll.u32 s6, $0x1;
	s3 =	sadd.s32 s19, s18  }
0xa2: {  	s7 =	simm.s32 $0x0;
	s20 =	sshll.u32 s5, $0x1;
	s5 =	sadd.s32 s21, s3  }
0xa3: {  	[timem:s7], [sflag:s22] =	dma.local [hbm:s5], s20  }
0xa4: {  	_ =	swait.ge [sflag:s22], s20  }
0xa5: {  	s4 =	ssub.s32 $0x0, s20;
	[sflag:s22] =	ssyncset.done $0x0  }
0xa6: {  	[sflag:s22] =	ssyncadd.s32 s4;
	_ =	sdelay $0x1  }
0xa7: {  	s23 =	simm.s32 $0x1B8B  }
0xa8: {  	_ =	swait.ge [sflag:s23], $0x1  }
0xa9: {  	[sflag:s23] =	ssyncset.done $0x0  }
0xaa: {  	s25 =	simm.s32 $0x1B8E;
	s24 =	sld [smem:$0x3FFE];
	[sflag:s23] =	ssyncadd.s32 $0xFFFFFFFF  }
0xab: {  	s26 =	simm.s32 $execute0_lowered;
	[smem:$0x3FD2] =	sst s25  }
0xac: {  	s5 =	sshll.u32 s26, $0x1;
	_ =	strace $0x80000046;
	[dreg:$0x1] =	wrdreg $0xFFFFFFFF  }
0xad: {  	s28 =	simm.s32 $_size_execute0_lowered;
	s3 =	sadd.s32 s3, s5;
	[dreg:$0x0] =	wrdreg $0x0  }
0xae: {  	s5 =	sshll.u32 s28, $0x1;
	[dreg:$0x2] =	wrdreg s3  }
0xaf: {  	[dreg:$0x3] =	wrdreg s5  }
0xb0: {  	[dreg:$0x4] =	wrdreg $0xC0  }
0xb1: {  	_ =	task [dreg:s7], $0x5FFFF  }
0xb2: {  	[dreg:$0x1] =	wrdreg $0xFFFFFFFF  }
0xb3: {  	[dreg:$0x0] =	wrdreg $0x60  }
0xb4: {  	[dreg:$0x2] =	wrdreg s24  }
0xb5: {  	[dreg:$0x3] =	wrdreg s16  }
0xb6: {  	[dreg:$0x4] =	wrdreg $0xA  }
0xb7: {  	_ =	task.clear_ibuf [dreg:s7], $0x5FFFF;
	_ =	strace $0x90000046  }
0xb8: {  	s29 =	simm.s32 $0xA;
	_ =	strace $0x8000004F  }
0xb9: {  	_ =	swait.ge [sflag:s29], $0x1  }
0xba: {  	[sflag:s29] =	ssyncadd.s32 $0xFFFFFFFF  }
0xbb: {  	_ =	strace $0x9000004F  }
0xbc: {  	_ =	sfence  }
0xbd: {  	s30 =	sld [smem:$0x0];
	_ =	sdelay $0x2  }
0xbe: {  	s31 =	sshll.u32 s1, $0xD;
	s1 =	sshrl.u32 s1, $0x2  }
0xbf: {  	s3 =	sand.u32 $0x4000, s31;
	s1 =	sadd.s32 s1, s30  }
0xc0: {  	s0 =	sor.u32 s3, s0;
	s1 =	sshll.u32 s1, $0x11  }
0xc1: {  	s0 =	sor.u32 s1, s0  }
0xc2: {  	s0 =	sadd.s32 $0x8F2B, s0  }
0xc3: {  	[sflag:s0] =	ssyncadd.remote.s32 $0x1  }
0xc4: {  	_ =	sfence.sel $0xFFFF  }
0xc5: {  	[dreg:$0x0] =	wrdreg $0xFFFFFFFF;
	(pc) =	sbr.abs _section_cstart, $3  }
0xc6: {  	[dreg:$0x1] =	wrdreg $0xFFFFFFFF  }
0xc7: {  	_ =	task.clear_ibuf [dreg:s7], $0x2FFFF;
	_ =	strace $0x9FFFFFFF  }
0xc8: {  	(tm) =	ssettm $0x7FFFFFFF  }
0xc9: {  	_ =	shalt  }
tec
execute0_lowered:
.L_overlay_start_1:
0x0: {  	(tag) =	ssettag $0x1  }
0x1: {  	s2 =	rddreg [dreg:$0x0]  }
0x2: {  	s4 =	rddreg [dreg:$0x1];
	s3 =	simm.s32 $0x0  }
0x3: {  	s1 =	stileid.u32;
	[smem:$0x7FF] =	sst s3  }
0x4: {  	s0 =	rddreg [dreg:$0x2];
	s5 =	sshll.u32 s1, $0x6;
	_ =	strace $0x80000047  }
0x5: {  	s4 =	sadd.s32 s4, s5;
	_ =	strace $0x80000048  }
0x6: {  	[tilespmem:s3], [sflag:$0x1] =	stream.linear.gather [hbm4b:s4+s3], $0x80, $0x200038;
	[tilespmem:$0x8100] =	vst v63  }
0x7: {  	_ =	strace $0x90000048  }
0x8: {  	s6 =	simm.s32 $0x80;
	s5 =	sadd.s32 $0x10, s4;
	_ =	strace $0x80000049  }
0x9: {  	[tilespmem:s6], [sflag:$0x2] =	stream.linear.gather [hbm4b:s5+s3], $0x80, $0x200038;
	[tilespmem:$0x8100] =	vst v63  }
0xa: {  	_ =	strace $0x90000049  }
0xb: {  	s7 =	simm.s32 $0x1;
	_ =	strace $0x8000004A  }
0xc: {  	_ =	swait.ge [sflag:s7], $0x80  }
0xd: {  	[sflag:s7] =	ssyncset.done $0x0  }
0xe: {  	[sflag:s7] =	ssyncadd.s32 $0xFFFFFF80  }
0xf: {  	_ =	strace $0x9000004A  }
0x10: {  	s8 =	simm.s32 $0x100;
	s9 =	simm.s32 $0x5;
	_ =	strace $0x8000004B  }
0x11: {  	[tilespmem:s8], [sflag:$0x5] =	stream.indirect.gather [hbm4b:s2+s6], $0x80, s3, s6, $0x2000b8;
	[tilespmem:$0x8100] =	vst v63  }
0x12: {  	_ =	swait.ge [sflag:s9], $0x4000  }
0x13: {  	[sflag:s9] =	ssyncset.done $0x0  }
0x14: {  	s10 =	sshll.u32 s1, $0xD;
	[sflag:s9] =	ssyncadd.s32 $0xFFFFC000  }
0x15: {  	s19 =	sadd.s32 s10, s2;
	_ =	strace $0x9000004B  }
0x16: {  	s10 =	sadd.s32 $0x20000, s19;
	_ =	strace $0x8000004C  }
0x17: {  	[hbm4b:s10+s3] =	stream.linear.scatter [tilespmem:s8], [sflag:$0x3], $0x4000, $0x200038;
	[tilespmem:$0x8100] =	vst v63  }
0x18: {  	_ =	strace $0x9000004C  }
0x19: {  	s11 =	sadd.s32 $0x20, s4;
	_ =	strace $0x80000049  }
0x1a: {  	[tilespmem:s3], [sflag:$0x1] =	stream.linear.gather [hbm4b:s11+s3], $0x80, $0x200038;
	[tilespmem:$0x8100] =	vst v63  }
0x1b: {  	_ =	strace $0x90000049  }
0x1c: {  	s12 =	simm.s32 $0x2;
	_ =	strace $0x8000004A  }
0x1d: {  	_ =	swait.ge [sflag:s12], $0x80  }
0x1e: {  	[sflag:s12] =	ssyncset.done $0x0  }
0x1f: {  	[sflag:s12] =	ssyncadd.s32 $0xFFFFFF80  }
0x20: {  	_ =	strace $0x9000004A  }
0x21: {  	s13 =	simm.s32 $0x4100;
	_ =	strace $0x8000004B  }
0x22: {  	[tilespmem:s13], [sflag:$0x5] =	stream.indirect.gather [hbm4b:s2+s6], $0x80, s6, s6, $0x2000b8;
	[tilespmem:$0x8100] =	vst v63  }
0x23: {  	_ =	swait.ge [sflag:s9], $0x4000  }
0x24: {  	[sflag:s9] =	ssyncset.done $0x0  }
0x25: {  	[sflag:s9] =	ssyncadd.s32 $0xFFFFC000  }
0x26: {  	_ =	strace $0x9000004B  }
0x27: {  	s14 =	sadd.s32 $0x20800, s19;
	_ =	strace $0x8000004C  }
0x28: {  	[hbm4b:s14+s3] =	stream.linear.scatter [tilespmem:s13], [sflag:$0x4], $0x4000, $0x200038;
	[tilespmem:$0x8100] =	vst v63  }
0x29: {  	_ =	strace $0x9000004C  }
0x2a: {  	s15 =	simm.s32 $0x3;
	_ =	strace $0x8000004D  }
0x2b: {  	_ =	swait.ge [sflag:s15], $0x4000  }
0x2c: {  	[sflag:s15] =	ssyncset.done $0x0  }
0x2d: {  	[sflag:s15] =	ssyncadd.s32 $0xFFFFC000  }
0x2e: {  	_ =	strace $0x9000004D  }
0x2f: {  	s16 =	sadd.s32 $0x30, s4;
	_ =	strace $0x80000049  }
0x30: {  	[tilespmem:s6], [sflag:$0x2] =	stream.linear.gather [hbm4b:s16+s3], $0x80, $0x200038;
	[tilespmem:$0x8100] =	vst v63  }
0x31: {  	_ =	strace $0x90000049  }
0x32: {  	_ =	strace $0x8000004A  }
0x33: {  	_ =	swait.ge [sflag:s7], $0x80  }
0x34: {  	[sflag:s7] =	ssyncset.done $0x0  }
0x35: {  	[sflag:s7] =	ssyncadd.s32 $0xFFFFFF80  }
0x36: {  	_ =	strace $0x9000004A  }
0x37: {  	_ =	strace $0x8000004B  }
0x38: {  	[tilespmem:s8], [sflag:$0x5] =	stream.indirect.gather [hbm4b:s2+s6], $0x80, s3, s6, $0x2000b8;
	[tilespmem:$0x8100] =	vst v63  }
0x39: {  	_ =	swait.ge [sflag:s9], $0x4000  }
0x3a: {  	[sflag:s9] =	ssyncset.done $0x0  }
0x3b: {  	[sflag:s9] =	ssyncadd.s32 $0xFFFFC000  }
0x3c: {  	_ =	strace $0x9000004B  }
0x3d: {  	s17 =	sadd.s32 $0x21000, s19;
	_ =	strace $0x8000004C  }
0x3e: {  	[hbm4b:s17+s3] =	stream.linear.scatter [tilespmem:s8], [sflag:$0x3], $0x4000, $0x200038;
	[tilespmem:$0x8100] =	vst v63  }
0x3f: {  	_ =	strace $0x9000004C  }
0x40: {  	s18 =	simm.s32 $0x4;
	_ =	strace $0x8000004D  }
0x41: {  	_ =	swait.ge [sflag:s18], $0x4000  }
0x42: {  	[sflag:s18] =	ssyncset.done $0x0  }
0x43: {  	[sflag:s18] =	ssyncadd.s32 $0xFFFFC000  }
0x44: {  	_ =	strace $0x9000004D  }
0x45: {  	_ =	strace $0x8000004A  }
0x46: {  	_ =	swait.ge [sflag:s12], $0x80  }
0x47: {  	[sflag:s12] =	ssyncset.done $0x0  }
0x48: {  	[sflag:s12] =	ssyncadd.s32 $0xFFFFFF80  }
0x49: {  	_ =	strace $0x9000004A  }
0x4a: {  	_ =	strace $0x8000004B  }
0x4b: {  	[tilespmem:s13], [sflag:$0x5] =	stream.indirect.gather [hbm4b:s2+s6], $0x80, s6, s6, $0x2000b8;
	[tilespmem:$0x8100] =	vst v63  }
0x4c: {  	_ =	swait.ge [sflag:s9], $0x4000  }
0x4d: {  	[sflag:s9] =	ssyncset.done $0x0  }
0x4e: {  	[sflag:s9] =	ssyncadd.s32 $0xFFFFC000  }
0x4f: {  	s20 =	srdreg.scid;
	_ =	strace $0x9000004B  }
0x50: {  	s20 =	sand.u32 $0x1, s20;
	s19 =	sadd.s32 $0x21800, s19;
	_ =	strace $0x8000004C  }
0x51: {  	[hbm4b:s19+s3] =	stream.linear.scatter [tilespmem:s13], [sflag:$0x4], $0x4000, $0x200038;
	[tilespmem:$0x8100] =	vst v63  }
0x52: {  	s20 =	ssub.s32 $0x2, s20;
	_ =	strace $0x9000004C  }
0x53: {  	s21 =	sshrl.u32 s20, $0x1;
	_ =	strace $0x8000004D  }
0x54: {  	s20 =	ssub.s32 s20, s21;
	_ =	swait.ge [sflag:s15], $0x4000  }
0x55: {  	s20 =	smax.u32 s20, $0x1;
	[sflag:s15] =	ssyncset.done $0x0  }
0x56: {  	p0 =	sne.s32 s20, $0x1;
	[sflag:s15] =	ssyncadd.s32 $0xFFFFC000  }
.Ltmp0:
0x57: {  	_ =	strace $0x9000004D;
	(pc) =	sbr.rel @!p0 .LBB2_2-.Ltmp0, $4  }
0x58: {  	_ =	strace $0x8000004E  }
0x59: {  	_ =	swait.ge [sflag:s18], $0x4000  }
0x5a: {  	[sflag:s18] =	ssyncset.done $0x0  }
0x5b: {  	s20 =	sadd.s32 $0xFFFFFFFF, s20;
	[sflag:s18] =	ssyncadd.s32 $0xFFFFC000  }
.LBB2_1:
0x5c: {  	p0 =	sne.s32 s20, $0x1;
	s20 =	sadd.s32 $0xFFFFFFFF, s20;
	_ =	strace $0x9000004E  }
0x5d: {  	_ =	strace $0x80000048  }
0x5e: {  	[tilespmem:s3], [sflag:$0x1] =	stream.linear.gather [hbm4b:s4+s3], $0x80, $0x200038;
	[tilespmem:$0x8100] =	vst v63  }
0x5f: {  	_ =	strace $0x90000048  }
0x60: {  	_ =	strace $0x80000049  }
0x61: {  	[tilespmem:s6], [sflag:$0x2] =	stream.linear.gather [hbm4b:s5+s3], $0x80, $0x200038;
	[tilespmem:$0x8100] =	vst v63  }
0x62: {  	_ =	strace $0x90000049  }
0x63: {  	_ =	strace $0x8000004A  }
0x64: {  	_ =	swait.ge [sflag:s7], $0x80  }
0x65: {  	[sflag:s7] =	ssyncset.done $0x0  }
0x66: {  	[sflag:s7] =	ssyncadd.s32 $0xFFFFFF80  }
0x67: {  	_ =	strace $0x9000004A  }
0x68: {  	_ =	strace $0x8000004B  }
0x69: {  	[tilespmem:s8], [sflag:$0x5] =	stream.indirect.gather [hbm4b:s2+s6], $0x80, s3, s6, $0x2000b8;
	[tilespmem:$0x8100] =	vst v63  }
0x6a: {  	_ =	swait.ge [sflag:s9], $0x4000  }
0x6b: {  	[sflag:s9] =	ssyncset.done $0x0  }
0x6c: {  	[sflag:s9] =	ssyncadd.s32 $0xFFFFC000  }
0x6d: {  	_ =	strace $0x9000004B  }
0x6e: {  	_ =	strace $0x8000004C  }
0x6f: {  	[hbm4b:s10+s3] =	stream.linear.scatter [tilespmem:s8], [sflag:$0x3], $0x4000, $0x200038;
	[tilespmem:$0x8100] =	vst v63  }
0x70: {  	_ =	strace $0x9000004C  }
0x71: {  	_ =	strace $0x80000049  }
0x72: {  	[tilespmem:s3], [sflag:$0x1] =	stream.linear.gather [hbm4b:s11+s3], $0x80, $0x200038;
	[tilespmem:$0x8100] =	vst v63  }
0x73: {  	_ =	strace $0x90000049  }
0x74: {  	_ =	strace $0x8000004A  }
0x75: {  	_ =	swait.ge [sflag:s12], $0x80  }
0x76: {  	[sflag:s12] =	ssyncset.done $0x0  }
0x77: {  	[sflag:s12] =	ssyncadd.s32 $0xFFFFFF80  }
0x78: {  	_ =	strace $0x9000004A  }
0x79: {  	_ =	strace $0x8000004B  }
0x7a: {  	[tilespmem:s13], [sflag:$0x5] =	stream.indirect.gather [hbm4b:s2+s6], $0x80, s6, s6, $0x2000b8;
	[tilespmem:$0x8100] =	vst v63  }
0x7b: {  	_ =	swait.ge [sflag:s9], $0x4000  }
0x7c: {  	[sflag:s9] =	ssyncset.done $0x0  }
0x7d: {  	[sflag:s9] =	ssyncadd.s32 $0xFFFFC000  }
0x7e: {  	_ =	strace $0x9000004B  }
0x7f: {  	_ =	strace $0x8000004C  }
0x80: {  	[hbm4b:s14+s3] =	stream.linear.scatter [tilespmem:s13], [sflag:$0x4], $0x4000, $0x200038;
	[tilespmem:$0x8100] =	vst v63  }
0x81: {  	_ =	strace $0x9000004C  }
0x82: {  	_ =	strace $0x8000004D  }
0x83: {  	_ =	swait.ge [sflag:s15], $0x4000  }
0x84: {  	[sflag:s15] =	ssyncset.done $0x0  }
0x85: {  	[sflag:s15] =	ssyncadd.s32 $0xFFFFC000  }
0x86: {  	_ =	strace $0x9000004D  }
0x87: {  	_ =	strace $0x80000049  }
0x88: {  	[tilespmem:s6], [sflag:$0x2] =	stream.linear.gather [hbm4b:s16+s3], $0x80, $0x200038;
	[tilespmem:$0x8100] =	vst v63  }
0x89: {  	_ =	strace $0x90000049  }
0x8a: {  	_ =	strace $0x8000004A  }
0x8b: {  	_ =	swait.ge [sflag:s7], $0x80  }
0x8c: {  	[sflag:s7] =	ssyncset.done $0x0  }
0x8d: {  	[sflag:s7] =	ssyncadd.s32 $0xFFFFFF80  }
0x8e: {  	_ =	strace $0x9000004A  }
0x8f: {  	_ =	strace $0x8000004B  }
0x90: {  	[tilespmem:s8], [sflag:$0x5] =	stream.indirect.gather [hbm4b:s2+s6], $0x80, s3, s6, $0x2000b8;
	[tilespmem:$0x8100] =	vst v63  }
0x91: {  	_ =	swait.ge [sflag:s9], $0x4000  }
0x92: {  	[sflag:s9] =	ssyncset.done $0x0  }
0x93: {  	[sflag:s9] =	ssyncadd.s32 $0xFFFFC000  }
0x94: {  	_ =	strace $0x9000004B  }
0x95: {  	_ =	strace $0x8000004C  }
0x96: {  	[hbm4b:s17+s3] =	stream.linear.scatter [tilespmem:s8], [sflag:$0x3], $0x4000, $0x200038;
	[tilespmem:$0x8100] =	vst v63  }
0x97: {  	_ =	strace $0x9000004C  }
0x98: {  	_ =	strace $0x8000004D  }
0x99: {  	_ =	swait.ge [sflag:s18], $0x4000  }
0x9a: {  	[sflag:s18] =	ssyncset.done $0x0  }
0x9b: {  	[sflag:s18] =	ssyncadd.s32 $0xFFFFC000  }
0x9c: {  	_ =	strace $0x9000004D  }
0x9d: {  	_ =	strace $0x8000004A  }
0x9e: {  	_ =	swait.ge [sflag:s12], $0x80  }
0x9f: {  	[sflag:s12] =	ssyncset.done $0x0  }
0xa0: {  	[sflag:s12] =	ssyncadd.s32 $0xFFFFFF80  }
0xa1: {  	_ =	strace $0x9000004A  }
0xa2: {  	_ =	strace $0x8000004B  }
0xa3: {  	[tilespmem:s13], [sflag:$0x5] =	stream.indirect.gather [hbm4b:s2+s6], $0x80, s6, s6, $0x2000b8;
	[tilespmem:$0x8100] =	vst v63  }
0xa4: {  	_ =	swait.ge [sflag:s9], $0x4000  }
0xa5: {  	[sflag:s9] =	ssyncset.done $0x0  }
0xa6: {  	[sflag:s9] =	ssyncadd.s32 $0xFFFFC000  }
0xa7: {  	_ =	strace $0x9000004B  }
0xa8: {  	_ =	strace $0x8000004C  }
0xa9: {  	[hbm4b:s19+s3] =	stream.linear.scatter [tilespmem:s13], [sflag:$0x4], $0x4000, $0x200038;
	[tilespmem:$0x8100] =	vst v63  }
0xaa: {  	_ =	strace $0x9000004C  }
0xab: {  	_ =	strace $0x8000004D  }
0xac: {  	_ =	swait.ge [sflag:s15], $0x4000  }
0xad: {  	[sflag:s15] =	ssyncset.done $0x0  }
0xae: {  	[sflag:s15] =	ssyncadd.s32 $0xFFFFC000  }
.Ltmp1:
0xaf: {  	_ =	strace $0x9000004D;
	(pc) =	sbr.rel @p0 .LBB2_1-.Ltmp1, $4  }
0xb0: {  	_ =	strace $0x8000004E  }
0xb1: {  	_ =	swait.ge [sflag:s18], $0x4000  }
0xb2: {  	[sflag:s18] =	ssyncset.done $0x0  }
0xb3: {  	[sflag:s18] =	ssyncadd.s32 $0xFFFFC000  }
.LBB2_2:
0xb4: {  	_ =	strace $0x9000004E  }
0xb5: {  	_ =	sfence.sel $0x180000  }
0xb6: {  	[bflag:$0x0] =	sbarrier.arrive $0xFFFF  }
0xb7: {  	p0 =	sne.s32 s1, $0x0;
	_ =	strace $0x90000047  }
0xb8: {  	s0 =	sadd.s32 @!p0 $0x100000, s0;
	[bflag:$0x2] =	sbarrier.arrive $0xFFFF  }
0xb9: {  	[sflag:s0] =	ssyncadd.tile.s32 @!p0 $0x1;
	_ =	shalt  }
.Lfunc_end2:
_tile_overlayer_lowered:
.L_overlay_start_2:
0xba: {  	(tag) =	ssettag $0x2  }
0xbb: {  	s0 =	rddreg [dreg:$0x0];
	s2 =	stileid.u32  }
0xbc: {  	s1 =	rddreg [dreg:$0x1];
	p0 =	sne.s32 s2, $0x0  }
0xbd: {  	s3 =	rddreg [dreg:$0x2];
	[bflag:$0x3] =	sbarrier.arrive $0xFFFF;
	s2 =	simm.s32 @!p0 $0x1C01  }
0xbe: {  	[timem:s3], [sflag:s2] =	dma.local @!p0 [hbm:s0], s1  }
0xbf: {  	s0 =	simm.s32 @!p0 $0x1  }
0xc0: {  	_ =	swait.ge @!p0 [sflag:s0], s1  }
0xc1: {  	s1 =	ssub.s32 @!p0 $0x0, s1;
	[sflag:s0] =	ssyncset.done @!p0 $0x0  }
0xc2: {  	[sflag:s0] =	ssyncadd.s32 @!p0 s1  }
0xc3: {  	[bflag:$0x3] =	sbarrier.arrive $0xFFFF  }
0xc4: {  	_ =	shalt  }

</sc_bundles>
